<compile_context>
chip_gen: v7x
topology: tpu7x:2x2x1
jax: 0.10.2.dev20260603
libtpu: 0.0.44.dev20260713+nightly
codegen_flags: <defaults>
</compile_context>

<pallas_src>
import functools

import jax
import jax.numpy as jnp
from jax import lax
from jax.experimental import pallas as pl
from jax.experimental.pallas import tpu as pltpu
from jax.experimental.pallas import tpu_sc as plsc

NC = 2
NS = 16
NW = NC * NS
L = 16

N_NODES_K = 100000
N_LINKS_K = 199350

LP = 199680
NP = 100352
C1 = LP // NW
C2 = NP // NW

_mesh = plsc.VectorSubcoreMesh(core_axis_name="c", subcore_axis_name="s")


@functools.partial(
    pl.kernel,
    out_type=jax.ShapeDtypeStruct((LP,), jnp.float32),
    mesh=_mesh,
    scratch_types=[
        pltpu.VMEM((C1,), jnp.int32),
        pltpu.VMEM((C1,), jnp.int32),
        pltpu.VMEM((C1,), jnp.int32),
        pltpu.VMEM((C1,), jnp.float32),
        pltpu.VMEM((C1,), jnp.float32),
        pltpu.VMEM((C1,), jnp.float32),
        pltpu.VMEM((C1,), jnp.float32),
        pltpu.VMEM((C1,), jnp.float32),
        pltpu.VMEM_SHARED((N_NODES_K,), jnp.float32),
        pltpu.VMEM_SHARED((N_LINKS_K,), jnp.float32),
        pltpu.SemaphoreType.DMA,
        pltpu.SemaphoreType.DMA,
        pltpu.SemaphoreType.DMA,
        pltpu.SemaphoreType.DMA,
    ],
)
def _flux_kernel(value_hbm, head_hbm, tail_hbm, face_hbm, ll_hbm, lface_hbm,
                 out_hbm, headv, tailv, facev, llv, vhv, vtv, lfv, fluxv,
                 value_sh, lface_sh, sem, sem_g0, sem_g1, sem_w):
    wid = lax.axis_index("s") * NC + lax.axis_index("c")
    base = wid * C1
    sid = lax.axis_index("s")

    @pl.when(sid == 0)
    def _():
        pltpu.sync_copy(value_hbm, value_sh)

    @pl.when(sid == 1)
    def _():
        pltpu.sync_copy(lface_hbm, lface_sh)

    c_head = pltpu.async_copy(head_hbm.at[pl.ds(base, C1)], headv, sem)
    c_tail = pltpu.async_copy(tail_hbm.at[pl.ds(base, C1)], tailv, sem)
    c_face = pltpu.async_copy(face_hbm.at[pl.ds(base, C1)], facev, sem)
    c_ll = pltpu.async_copy(ll_hbm.at[pl.ds(base, C1)], llv, sem)
    c_head.wait()
    c_tail.wait()
    c_face.wait()
    c_ll.wait()
    plsc.subcore_barrier()
    H = C1 // 2
    g0 = [pltpu.async_copy(value_sh.at[headv.at[pl.ds(0, H)]],
                           vhv.at[pl.ds(0, H)], sem_g0),
          pltpu.async_copy(value_sh.at[tailv.at[pl.ds(0, H)]],
                           vtv.at[pl.ds(0, H)], sem_g0),
          pltpu.async_copy(lface_sh.at[facev.at[pl.ds(0, H)]],
                           lfv.at[pl.ds(0, H)], sem_g0)]
    g1 = [pltpu.async_copy(value_sh.at[headv.at[pl.ds(H, H)]],
                           vhv.at[pl.ds(H, H)], sem_g1),
          pltpu.async_copy(value_sh.at[tailv.at[pl.ds(H, H)]],
                           vtv.at[pl.ds(H, H)], sem_g1),
          pltpu.async_copy(lface_sh.at[facev.at[pl.ds(H, H)]],
                           lfv.at[pl.ds(H, H)], sem_g1)]

    def body(i, carry):
        s = pl.ds(i * L, L)
        fluxv[s] = (vhv[s] - vtv[s]) / llv[s] * lfv[s]
        return carry

    for g in g0:
        g.wait()
    lax.fori_loop(0, H // L, body, 0)
    w0 = pltpu.async_copy(fluxv.at[pl.ds(0, H)],
                          out_hbm.at[pl.ds(base, H)], sem_w)
    for g in g1:
        g.wait()
    lax.fori_loop(H // L, C1 // L, body, 0)
    w1 = pltpu.async_copy(fluxv.at[pl.ds(H, H)],
                          out_hbm.at[pl.ds(base + H, H)], sem_w)
    w0.wait()
    w1.wait()


@functools.partial(
    pl.kernel,
    out_type=jax.ShapeDtypeStruct((NP,), jnp.float32),
    mesh=_mesh,
    scratch_types=[
        pltpu.VMEM((4 * C2,), jnp.int32),
        pltpu.VMEM((4 * C2,), jnp.float32),
        pltpu.VMEM((4 * C2,), jnp.float32),
        pltpu.VMEM((C2,), jnp.float32),
        pltpu.VMEM((C2,), jnp.float32),
        pltpu.VMEM_SHARED((LP,), jnp.float32),
        pltpu.SemaphoreType.DMA,
        pltpu.SemaphoreType.DMA,
        pltpu.SemaphoreType.DMA,
    ],
)
def _div_kernel(flux_hbm, clamped_hbm, dirs_hbm, area_hbm,
                out_hbm, idxv, dirv, gv, areav, outv, flux_sh,
                sem_idx, sem_in, sem_g):
    wid = lax.axis_index("s") * NC + lax.axis_index("c")
    base = wid * C2
    sid = lax.axis_index("s")

    @pl.when(sid == 0)
    def _():
        pltpu.sync_copy(flux_hbm, flux_sh)

    idx_copies = [
        pltpu.async_copy(clamped_hbm.at[pl.ds(j * NP + base, C2)],
                         idxv.at[pl.ds(j * C2, C2)], sem_idx)
        for j in range(4)
    ]
    in_copies = [
        pltpu.async_copy(dirs_hbm.at[pl.ds(j * NP + base, C2)],
                         dirv.at[pl.ds(j * C2, C2)], sem_in)
        for j in range(4)
    ] + [pltpu.async_copy(area_hbm.at[pl.ds(base, C2)], areav, sem_in)]
    for c in idx_copies:
        c.wait()
    plsc.subcore_barrier()
    gs = [pltpu.async_copy(flux_sh.at[idxv.at[pl.ds(j * C2, C2)]],
                           gv.at[pl.ds(j * C2, C2)], sem_g) for j in range(4)]
    for c in in_copies:
        c.wait()
    for g in gs:
        g.wait()

    def out_body(i, carry):
        s = pl.ds(i * L, L)
        acc = jnp.zeros((L,), jnp.float32)
        for j in range(4):
            sj = pl.ds(j * C2 + i * L, L)
            acc = acc + dirv[sj] * gv[sj]
        a = areav[s]
        outv[s] = jnp.where(a != 0.0, -acc / a, jnp.float32(0.0))
        return carry

    lax.fori_loop(0, C2 // L, out_body, 0)
    pltpu.sync_copy(outv, out_hbm.at[pl.ds(base, C2)])


def kernel(value_at_node, length_of_link, length_of_face, cell_area_at_node,
           node_at_link_head, node_at_link_tail, face_at_link,
           links_at_node, link_dirs_at_node):
    pad_l = LP - N_LINKS_K
    head_p = jnp.pad(node_at_link_head, (0, pad_l))
    tail_p = jnp.pad(node_at_link_tail, (0, pad_l))
    face_p = jnp.pad(face_at_link, (0, pad_l))
    ll_p = jnp.pad(length_of_link, (0, pad_l), constant_values=1.0)

    flux = _flux_kernel(value_at_node, head_p, tail_p, face_p, ll_p,
                        length_of_face)

    pad_n = NP - N_NODES_K
    links_t = jnp.pad(links_at_node, ((0, pad_n), (0, 0)),
                      constant_values=-1).T.reshape(4 * NP)
    dirs_t = jnp.where(
        links_t < 0, 0.0,
        jnp.pad(link_dirs_at_node, ((0, pad_n), (0, 0))).T.reshape(4 * NP)
        .astype(jnp.float32))
    area_p = jnp.pad(cell_area_at_node, (0, pad_n), constant_values=1.0)

    fallback = (jnp.arange(4 * NP, dtype=jnp.int32) * 16) % jnp.int32(LP)
    clamped_t = jnp.where(links_t < 0, fallback, links_t)
    div = _div_kernel(flux, clamped_t, dirs_t, area_p)
    return div[:N_NODES_K]

# --- scband reference (transcript-rebuilt; emitter-appended) ---
"""Pipeline reference for scband-static-grid-55301998903304 (READ-ONLY COPY).

The authoritative reference and input builder live on the scoring server;
editing this copy changes nothing except your own understanding.
"""

import jax, jax.numpy as jnp
import numpy as np

N_NODES = 100000
N_LINKS = 199350
N_FACES = 199350
MAX_LINKS_AT_NODE = 4


def setup_inputs(seed: int = 0) -> dict:
    key = jax.random.key(seed)
    ks = jax.random.split(key, 10)
    value_at_node = jax.random.normal(ks[0], (N_NODES,), dtype=jnp.float32)
    node_at_link_head = jax.random.randint(ks[1], (N_LINKS,), 0, N_NODES, dtype=jnp.int32)
    node_at_link_tail = jax.random.randint(ks[2], (N_LINKS,), 0, N_NODES, dtype=jnp.int32)
    length_of_link = jax.random.uniform(ks[3], (N_LINKS,), dtype=jnp.float32, minval=0.5, maxval=1.5)
    face_at_link = jax.random.randint(ks[4], (N_LINKS,), 0, N_FACES, dtype=jnp.int32)
    length_of_face = jax.random.uniform(ks[5], (N_FACES,), dtype=jnp.float32, minval=0.5, maxval=1.5)
    links_at_node = jax.random.randint(ks[6], (N_NODES, MAX_LINKS_AT_NODE), 0, N_LINKS, dtype=jnp.int32)
    # ~10% of slots are padding (-1), as in real Landlab grids (boundary nodes)
    pad = jax.random.uniform(ks[7], (N_NODES, MAX_LINKS_AT_NODE)) < 0.1
    links_at_node = jnp.where(pad, -1, links_at_node)
    link_dirs_at_node = jax.random.randint(ks[8], (N_NODES, MAX_LINKS_AT_NODE), -1, 2, dtype=jnp.int32)
    cell_area_at_node = jax.random.uniform(ks[9], (N_NODES,), dtype=jnp.float32, minval=0.5, maxval=1.5)
    return {
        'value_at_node': value_at_node,
        'length_of_link': length_of_link,
        'length_of_face': length_of_face,
        'cell_area_at_node': cell_area_at_node,
        'node_at_link_head': node_at_link_head,
        'node_at_link_tail': node_at_link_tail,
        'face_at_link': face_at_link,
        'links_at_node': links_at_node,
        'link_dirs_at_node': link_dirs_at_node,
    }


def reference(value_at_node, length_of_link, length_of_face, cell_area_at_node,
              node_at_link_head, node_at_link_tail, face_at_link,
              links_at_node, link_dirs_at_node):
    # StaticGrid.calc_grad_at_link: gather node values to links
    grad_at_link = (value_at_node[node_at_link_head] - value_at_node[node_at_link_tail]) / length_of_link
    # StaticGrid.calc_flux_div_at_node: face-weighted flux, masked sum of links at each node
    face_flux = grad_at_link * length_of_face[face_at_link]
    # mask_links_at_node_array
    masked_values = jnp.where(links_at_node != -1, face_flux[links_at_node], jnp.nan)
    # sum_at_nodes
    total = jnp.nansum(link_dirs_at_node.astype(face_flux.dtype) * masked_values, axis=1)
    div_at_node = jnp.where(cell_area_at_node != 0, -total / cell_area_at_node, 0.0)
    return div_at_node

if __name__ == "__main__":
    import jax
    _d = setup_inputs()
    print(jax.jit(kernel)(*tuple(_d.values())))

</pallas_src>

<mosaic_0001>
#map = affine_map<(d0, d1) -> (0)>
module attributes {stable_mosaic.version = 14 : i64} {
  func.func @_flux_kernel(%arg0: i32, %arg1: i32, %arg2: memref<100000xf32, #tpu.memory_space<hbm>>, %arg3: memref<199680xi32, #tpu.memory_space<hbm>>, %arg4: memref<199680xi32, #tpu.memory_space<hbm>>, %arg5: memref<199680xi32, #tpu.memory_space<hbm>>, %arg6: memref<199680xf32, #tpu.memory_space<hbm>>, %arg7: memref<199350xf32, #tpu.memory_space<hbm>>, %arg8: memref<199680xf32, #tpu.memory_space<hbm>>, %arg9: memref<6240xi32, #tpu.memory_space<vmem>>, %arg10: memref<6240xi32, #tpu.memory_space<vmem>>, %arg11: memref<6240xi32, #tpu.memory_space<vmem>>, %arg12: memref<6240xf32, #tpu.memory_space<vmem>>, %arg13: memref<6240xf32, #tpu.memory_space<vmem>>, %arg14: memref<6240xf32, #tpu.memory_space<vmem>>, %arg15: memref<6240xf32, #tpu.memory_space<vmem>>, %arg16: memref<6240xf32, #tpu.memory_space<vmem>>, %arg17: memref<100000xf32, #tpu.memory_space<vmem_shared>>, %arg18: memref<199350xf32, #tpu.memory_space<vmem_shared>>, %arg19: memref<!tpu.dma_semaphore, #tpu.memory_space<semaphore_mem>>, %arg20: memref<!tpu.dma_semaphore, #tpu.memory_space<semaphore_mem>>, %arg21: memref<!tpu.dma_semaphore, #tpu.memory_space<semaphore_mem>>, %arg22: memref<!tpu.dma_semaphore, #tpu.memory_space<semaphore_mem>>) attributes {dimension_semantics = [#tpu.dimension_semantics<core_parallel>, #tpu.dimension_semantics<subcore_parallel>], iteration_bounds = array<i64: 2, 16>, scalar_prefetch = 0 : i64, scratch_operands = 14 : i64, tpu.core_type = #tpu.core_type<sc_vector_subcore>, window_params = [{transform_indices = #map}, {transform_indices = #map}, {transform_indices = #map}, {transform_indices = #map}, {transform_indices = #map}, {transform_indices = #map}, {transform_indices = #map}]} {
    %mul3A = arith.constant 2 : i32
    %mul3A_0 = arith.muli %arg1, %mul3A : i32
    %add3A = arith.addi %mul3A_0, %arg0 : i32
    %mul3A_1 = arith.constant 6240 : i32
    %mul3A_2 = arith.muli %add3A, %mul3A_1 : i32
    %eq3A = arith.constant 0 : i32
    %eq3A_3 = arith.cmpi eq, %arg1, %eq3A : i32
    %convert_element_type3A = arith.extui %eq3A_3 : i1 to i32
    %cond3A = arith.constant 0 : i32
    %cond3A_4 = arith.cmpi ne, %convert_element_type3A, %cond3A : i32
    scf.if %cond3A_4 {
      "tpu.region"() ({
        %run_scoped3A = tpu.sem_alloc : memref<!tpu.dma_semaphore, #tpu.memory_space<semaphore_mem>>
        tpu.enqueue_dma source(%arg2 : memref<100000xf32, #tpu.memory_space<hbm>>) target(%arg17 : memref<100000xf32, #tpu.memory_space<vmem_shared>>) target_semaphore(%run_scoped3A : memref<!tpu.dma_semaphore, #tpu.memory_space<semaphore_mem>>)
        tpu.wait_dma2 semaphore(%run_scoped3A : memref<!tpu.dma_semaphore, #tpu.memory_space<semaphore_mem>>) src(%arg2 : memref<100000xf32, #tpu.memory_space<hbm>>) dst(%arg17 : memref<100000xf32, #tpu.memory_space<vmem_shared>>)
        tpu.yield
      }) : () -> ()
    } else {
    }
    %eq3A_5 = arith.constant 1 : i32
    %eq3A_6 = arith.cmpi eq, %arg1, %eq3A_5 : i32
    %convert_element_type3A_7 = arith.extui %eq3A_6 : i1 to i32
    %cond3A_8 = arith.constant 0 : i32
    %cond3A_9 = arith.cmpi ne, %convert_element_type3A_7, %cond3A_8 : i32
    scf.if %cond3A_9 {
      "tpu.region"() ({
        %run_scoped3A = tpu.sem_alloc : memref<!tpu.dma_semaphore, #tpu.memory_space<semaphore_mem>>
        tpu.enqueue_dma source(%arg7 : memref<199350xf32, #tpu.memory_space<hbm>>) target(%arg18 : memref<199350xf32, #tpu.memory_space<vmem_shared>>) target_semaphore(%run_scoped3A : memref<!tpu.dma_semaphore, #tpu.memory_space<semaphore_mem>>)
        tpu.wait_dma2 semaphore(%run_scoped3A : memref<!tpu.dma_semaphore, #tpu.memory_space<semaphore_mem>>) src(%arg7 : memref<199350xf32, #tpu.memory_space<hbm>>) dst(%arg18 : memref<199350xf32, #tpu.memory_space<vmem_shared>>)
        tpu.yield
      }) : () -> ()
    } else {
    }
    %dma_start3A = tpu.memref_slice %arg3[%mul3A_2] : memref<199680xi32, #tpu.memory_space<hbm>> -> memref<6240xi32, #tpu.memory_space<hbm>>
    %dma_start3A_10 = tpu.memref_slice %arg3[%mul3A_2] : memref<199680xi32, #tpu.memory_space<hbm>> -> memref<6240xi32, #tpu.memory_space<hbm>>
    tpu.enqueue_dma source(%dma_start3A_10 : memref<6240xi32, #tpu.memory_space<hbm>>) target(%arg9 : memref<6240xi32, #tpu.memory_space<vmem>>) target_semaphore(%arg19 : memref<!tpu.dma_semaphore, #tpu.memory_space<semaphore_mem>>)
    %dma_start3A_11 = tpu.memref_slice %arg4[%mul3A_2] : memref<199680xi32, #tpu.memory_space<hbm>> -> memref<6240xi32, #tpu.memory_space<hbm>>
    %dma_start3A_12 = tpu.memref_slice %arg4[%mul3A_2] : memref<199680xi32, #tpu.memory_space<hbm>> -> memref<6240xi32, #tpu.memory_space<hbm>>
    tpu.enqueue_dma source(%dma_start3A_12 : memref<6240xi32, #tpu.memory_space<hbm>>) target(%arg10 : memref<6240xi32, #tpu.memory_space<vmem>>) target_semaphore(%arg19 : memref<!tpu.dma_semaphore, #tpu.memory_space<semaphore_mem>>)
    %dma_start3A_13 = tpu.memref_slice %arg5[%mul3A_2] : memref<199680xi32, #tpu.memory_space<hbm>> -> memref<6240xi32, #tpu.memory_space<hbm>>
    %dma_start3A_14 = tpu.memref_slice %arg5[%mul3A_2] : memref<199680xi32, #tpu.memory_space<hbm>> -> memref<6240xi32, #tpu.memory_space<hbm>>
    tpu.enqueue_dma source(%dma_start3A_14 : memref<6240xi32, #tpu.memory_space<hbm>>) target(%arg11 : memref<6240xi32, #tpu.memory_space<vmem>>) target_semaphore(%arg19 : memref<!tpu.dma_semaphore, #tpu.memory_space<semaphore_mem>>)
    %dma_start3A_15 = tpu.memref_slice %arg6[%mul3A_2] : memref<199680xf32, #tpu.memory_space<hbm>> -> memref<6240xf32, #tpu.memory_space<hbm>>
    %dma_start3A_16 = tpu.memref_slice %arg6[%mul3A_2] : memref<199680xf32, #tpu.memory_space<hbm>> -> memref<6240xf32, #tpu.memory_space<hbm>>
    tpu.enqueue_dma source(%dma_start3A_16 : memref<6240xf32, #tpu.memory_space<hbm>>) target(%arg12 : memref<6240xf32, #tpu.memory_space<vmem>>) target_semaphore(%arg19 : memref<!tpu.dma_semaphore, #tpu.memory_space<semaphore_mem>>)
    %dma_wait3A = tpu.memref_slice %arg3[%mul3A_2] : memref<199680xi32, #tpu.memory_space<hbm>> -> memref<6240xi32, #tpu.memory_space<hbm>>
    %dma_wait3A_17 = tpu.memref_slice %arg3[%mul3A_2] : memref<199680xi32, #tpu.memory_space<hbm>> -> memref<6240xi32, #tpu.memory_space<hbm>>
    tpu.wait_dma2 semaphore(%arg19 : memref<!tpu.dma_semaphore, #tpu.memory_space<semaphore_mem>>) src(%dma_wait3A_17 : memref<6240xi32, #tpu.memory_space<hbm>>) dst(%arg9 : memref<6240xi32, #tpu.memory_space<vmem>>)
    %dma_wait3A_18 = tpu.memref_slice %arg4[%mul3A_2] : memref<199680xi32, #tpu.memory_space<hbm>> -> memref<6240xi32, #tpu.memory_space<hbm>>
    %dma_wait3A_19 = tpu.memref_slice %arg4[%mul3A_2] : memref<199680xi32, #tpu.memory_space<hbm>> -> memref<6240xi32, #tpu.memory_space<hbm>>
    tpu.wait_dma2 semaphore(%arg19 : memref<!tpu.dma_semaphore, #tpu.memory_space<semaphore_mem>>) src(%dma_wait3A_19 : memref<6240xi32, #tpu.memory_space<hbm>>) dst(%arg10 : memref<6240xi32, #tpu.memory_space<vmem>>)
    %dma_wait3A_20 = tpu.memref_slice %arg5[%mul3A_2] : memref<199680xi32, #tpu.memory_space<hbm>> -> memref<6240xi32, #tpu.memory_space<hbm>>
    %dma_wait3A_21 = tpu.memref_slice %arg5[%mul3A_2] : memref<199680xi32, #tpu.memory_space<hbm>> -> memref<6240xi32, #tpu.memory_space<hbm>>
    tpu.wait_dma2 semaphore(%arg19 : memref<!tpu.dma_semaphore, #tpu.memory_space<semaphore_mem>>) src(%dma_wait3A_21 : memref<6240xi32, #tpu.memory_space<hbm>>) dst(%arg11 : memref<6240xi32, #tpu.memory_space<vmem>>)
    %dma_wait3A_22 = tpu.memref_slice %arg6[%mul3A_2] : memref<199680xf32, #tpu.memory_space<hbm>> -> memref<6240xf32, #tpu.memory_space<hbm>>
    %dma_wait3A_23 = tpu.memref_slice %arg6[%mul3A_2] : memref<199680xf32, #tpu.memory_space<hbm>> -> memref<6240xf32, #tpu.memory_space<hbm>>
    tpu.wait_dma2 semaphore(%arg19 : memref<!tpu.dma_semaphore, #tpu.memory_space<semaphore_mem>>) src(%dma_wait3A_23 : memref<6240xf32, #tpu.memory_space<hbm>>) dst(%arg12 : memref<6240xf32, #tpu.memory_space<vmem>>)
    %barrier3A = arith.constant 0 : index
    tpu.barrier barrier_id(%barrier3A)
    %dma_start3A_24 = arith.constant 0 : i32
    %dma_start3A_25 = tpu.memref_slice %arg13[%dma_start3A_24] : memref<6240xf32, #tpu.memory_space<vmem>> -> memref<3120xf32, #tpu.memory_space<vmem>>
    %dma_start3A_26 = arith.constant 0 : i32
    %dma_start3A_27 = tpu.memref_slice %arg9[%dma_start3A_26] : memref<6240xi32, #tpu.memory_space<vmem>> -> memref<3120xi32, #tpu.memory_space<vmem>>
    %dma_start3A_28 = arith.constant 0 : i32
    %dma_start3A_29 = tpu.memref_slice %arg17[%dma_start3A_28] : memref<100000xf32, #tpu.memory_space<vmem_shared>> -> memref<100000xf32, #tpu.memory_space<vmem_shared>>
    tpu.enqueue_indirect_dma source(%dma_start3A_29 : memref<100000xf32, #tpu.memory_space<vmem_shared>>) target(%dma_start3A_25 : memref<3120xf32, #tpu.memory_space<vmem>>) offsets(%dma_start3A_27 : memref<3120xi32, #tpu.memory_space<vmem>>) semaphore(%arg20 : memref<!tpu.dma_semaphore, #tpu.memory_space<semaphore_mem>>)
    %dma_start3A_30 = arith.constant 0 : i32
    %dma_start3A_31 = tpu.memref_slice %arg14[%dma_start3A_30] : memref<6240xf32, #tpu.memory_space<vmem>> -> memref<3120xf32, #tpu.memory_space<vmem>>
    %dma_start3A_32 = arith.constant 0 : i32
    %dma_start3A_33 = tpu.memref_slice %arg10[%dma_start3A_32] : memref<6240xi32, #tpu.memory_space<vmem>> -> memref<3120xi32, #tpu.memory_space<vmem>>
    %dma_start3A_34 = arith.constant 0 : i32
    %dma_start3A_35 = tpu.memref_slice %arg17[%dma_start3A_34] : memref<100000xf32, #tpu.memory_space<vmem_shared>> -> memref<100000xf32, #tpu.memory_space<vmem_shared>>
    tpu.enqueue_indirect_dma source(%dma_start3A_35 : memref<100000xf32, #tpu.memory_space<vmem_shared>>) target(%dma_start3A_31 : memref<3120xf32, #tpu.memory_space<vmem>>) offsets(%dma_start3A_33 : memref<3120xi32, #tpu.memory_space<vmem>>) semaphore(%arg20 : memref<!tpu.dma_semaphore, #tpu.memory_space<semaphore_mem>>)
    %dma_start3A_36 = arith.constant 0 : i32
    %dma_start3A_37 = tpu.memref_slice %arg15[%dma_start3A_36] : memref<6240xf32, #tpu.memory_space<vmem>> -> memref<3120xf32, #tpu.memory_space<vmem>>
    %dma_start3A_38 = arith.constant 0 : i32
    %dma_start3A_39 = tpu.memref_slice %arg11[%dma_start3A_38] : memref<6240xi32, #tpu.memory_space<vmem>> -> memref<3120xi32, #tpu.memory_space<vmem>>
    %dma_start3A_40 = arith.constant 0 : i32
    %dma_start3A_41 = tpu.memref_slice %arg18[%dma_start3A_40] : memref<199350xf32, #tpu.memory_space<vmem_shared>> -> memref<199350xf32, #tpu.memory_space<vmem_shared>>
    tpu.enqueue_indirect_dma source(%dma_start3A_41 : memref<199350xf32, #tpu.memory_space<vmem_shared>>) target(%dma_start3A_37 : memref<3120xf32, #tpu.memory_space<vmem>>) offsets(%dma_start3A_39 : memref<3120xi32, #tpu.memory_space<vmem>>) semaphore(%arg20 : memref<!tpu.dma_semaphore, #tpu.memory_space<semaphore_mem>>)
    %dma_start3A_42 = arith.constant 3120 : i32
    %dma_start3A_43 = tpu.memref_slice %arg13[%dma_start3A_42] : memref<6240xf32, #tpu.memory_space<vmem>> -> memref<3120xf32, #tpu.memory_space<vmem>>
    %dma_start3A_44 = arith.constant 3120 : i32
    %dma_start3A_45 = tpu.memref_slice %arg9[%dma_start3A_44] : memref<6240xi32, #tpu.memory_space<vmem>> -> memref<3120xi32, #tpu.memory_space<vmem>>
    %dma_start3A_46 = arith.constant 0 : i32
    %dma_start3A_47 = tpu.memref_slice %arg17[%dma_start3A_46] : memref<100000xf32, #tpu.memory_space<vmem_shared>> -> memref<100000xf32, #tpu.memory_space<vmem_shared>>
    tpu.enqueue_indirect_dma source(%dma_start3A_47 : memref<100000xf32, #tpu.memory_space<vmem_shared>>) target(%dma_start3A_43 : memref<3120xf32, #tpu.memory_space<vmem>>) offsets(%dma_start3A_45 : memref<3120xi32, #tpu.memory_space<vmem>>) semaphore(%arg21 : memref<!tpu.dma_semaphore, #tpu.memory_space<semaphore_mem>>)
    %dma_start3A_48 = arith.constant 3120 : i32
    %dma_start3A_49 = tpu.memref_slice %arg14[%dma_start3A_48] : memref<6240xf32, #tpu.memory_space<vmem>> -> memref<3120xf32, #tpu.memory_space<vmem>>
    %dma_start3A_50 = arith.constant 3120 : i32
    %dma_start3A_51 = tpu.memref_slice %arg10[%dma_start3A_50] : memref<6240xi32, #tpu.memory_space<vmem>> -> memref<3120xi32, #tpu.memory_space<vmem>>
    %dma_start3A_52 = arith.constant 0 : i32
    %dma_start3A_53 = tpu.memref_slice %arg17[%dma_start3A_52] : memref<100000xf32, #tpu.memory_space<vmem_shared>> -> memref<100000xf32, #tpu.memory_space<vmem_shared>>
    tpu.enqueue_indirect_dma source(%dma_start3A_53 : memref<100000xf32, #tpu.memory_space<vmem_shared>>) target(%dma_start3A_49 : memref<3120xf32, #tpu.memory_space<vmem>>) offsets(%dma_start3A_51 : memref<3120xi32, #tpu.memory_space<vmem>>) semaphore(%arg21 : memref<!tpu.dma_semaphore, #tpu.memory_space<semaphore_mem>>)
    %dma_start3A_54 = arith.constant 3120 : i32
    %dma_start3A_55 = tpu.memref_slice %arg15[%dma_start3A_54] : memref<6240xf32, #tpu.memory_space<vmem>> -> memref<3120xf32, #tpu.memory_space<vmem>>
    %dma_start3A_56 = arith.constant 3120 : i32
    %dma_start3A_57 = tpu.memref_slice %arg11[%dma_start3A_56] : memref<6240xi32, #tpu.memory_space<vmem>> -> memref<3120xi32, #tpu.memory_space<vmem>>
    %dma_start3A_58 = arith.constant 0 : i32
    %dma_start3A_59 = tpu.memref_slice %arg18[%dma_start3A_58] : memref<199350xf32, #tpu.memory_space<vmem_shared>> -> memref<199350xf32, #tpu.memory_space<vmem_shared>>
    tpu.enqueue_indirect_dma source(%dma_start3A_59 : memref<199350xf32, #tpu.memory_space<vmem_shared>>) target(%dma_start3A_55 : memref<3120xf32, #tpu.memory_space<vmem>>) offsets(%dma_start3A_57 : memref<3120xi32, #tpu.memory_space<vmem>>) semaphore(%arg21 : memref<!tpu.dma_semaphore, #tpu.memory_space<semaphore_mem>>)
    %dma_wait3A_60 = arith.constant 0 : i32
    %dma_wait3A_61 = tpu.memref_slice %arg13[%dma_wait3A_60] : memref<6240xf32, #tpu.memory_space<vmem>> -> memref<3120xf32, #tpu.memory_space<vmem>>
    %dma_wait3A_62 = arith.constant 0 : i32
    %dma_wait3A_63 = tpu.memref_slice %arg9[%dma_wait3A_62] : memref<6240xi32, #tpu.memory_space<vmem>> -> memref<3120xi32, #tpu.memory_space<vmem>>
    %dma_wait3A_64 = arith.constant 0 : i32
    %dma_wait3A_65 = tpu.memref_slice %arg17[%dma_wait3A_64] : memref<100000xf32, #tpu.memory_space<vmem_shared>> -> memref<100000xf32, #tpu.memory_space<vmem_shared>>
    tpu.wait_indirect_dma semaphore(%arg20 : memref<!tpu.dma_semaphore, #tpu.memory_space<semaphore_mem>>) src(%dma_wait3A_65 : memref<100000xf32, #tpu.memory_space<vmem_shared>>) dst(%dma_wait3A_61 : memref<3120xf32, #tpu.memory_space<vmem>>)
    %dma_wait3A_66 = arith.constant 0 : i32
    %dma_wait3A_67 = tpu.memref_slice %arg14[%dma_wait3A_66] : memref<6240xf32, #tpu.memory_space<vmem>> -> memref<3120xf32, #tpu.memory_space<vmem>>
    %dma_wait3A_68 = arith.constant 0 : i32
    %dma_wait3A_69 = tpu.memref_slice %arg10[%dma_wait3A_68] : memref<6240xi32, #tpu.memory_space<vmem>> -> memref<3120xi32, #tpu.memory_space<vmem>>
    %dma_wait3A_70 = arith.constant 0 : i32
    %dma_wait3A_71 = tpu.memref_slice %arg17[%dma_wait3A_70] : memref<100000xf32, #tpu.memory_space<vmem_shared>> -> memref<100000xf32, #tpu.memory_space<vmem_shared>>
    tpu.wait_indirect_dma semaphore(%arg20 : memref<!tpu.dma_semaphore, #tpu.memory_space<semaphore_mem>>) src(%dma_wait3A_71 : memref<100000xf32, #tpu.memory_space<vmem_shared>>) dst(%dma_wait3A_67 : memref<3120xf32, #tpu.memory_space<vmem>>)
    %dma_wait3A_72 = arith.constant 0 : i32
    %dma_wait3A_73 = tpu.memref_slice %arg15[%dma_wait3A_72] : memref<6240xf32, #tpu.memory_space<vmem>> -> memref<3120xf32, #tpu.memory_space<vmem>>
    %dma_wait3A_74 = arith.constant 0 : i32
    %dma_wait3A_75 = tpu.memref_slice %arg11[%dma_wait3A_74] : memref<6240xi32, #tpu.memory_space<vmem>> -> memref<3120xi32, #tpu.memory_space<vmem>>
    %dma_wait3A_76 = arith.constant 0 : i32
    %dma_wait3A_77 = tpu.memref_slice %arg18[%dma_wait3A_76] : memref<199350xf32, #tpu.memory_space<vmem_shared>> -> memref<199350xf32, #tpu.memory_space<vmem_shared>>
    tpu.wait_indirect_dma semaphore(%arg20 : memref<!tpu.dma_semaphore, #tpu.memory_space<semaphore_mem>>) src(%dma_wait3A_77 : memref<199350xf32, #tpu.memory_space<vmem_shared>>) dst(%dma_wait3A_73 : memref<3120xf32, #tpu.memory_space<vmem>>)
    %scan3A = arith.constant 0 : i32
    %scan3A_78 = arith.constant 0 : i32
    %scan3A_79 = arith.constant 195 : i32
    %scan3A_80 = arith.addi %scan3A_78, %scan3A_79 : i32
    %scan3A_81 = arith.constant 1 : i32
    scf.for %scan3A_133 = %scan3A_78 to %scan3A_80 step %scan3A_81  : i32 {
      %mul3A_134 = arith.constant 16 : i32
      %mul3A_135 = arith.muli %scan3A_133, %mul3A_134 : i32
      %get3A = arith.index_cast %mul3A_135 : i32 to index
      %get3A_136 = tpu.vector_load %arg13[%get3A] {strides = array<i32>} : memref<6240xf32, #tpu.memory_space<vmem>>, vector<16xf32>,
      %get3A_137 = vector.shape_cast %get3A_136 : vector<16xf32> to vector<16xf32>
      %get3A_138 = arith.index_cast %mul3A_135 : i32 to index
      %get3A_139 = tpu.vector_load %arg14[%get3A_138] {strides = array<i32>} : memref<6240xf32, #tpu.memory_space<vmem>>, vector<16xf32>,
      %get3A_140 = vector.shape_cast %get3A_139 : vector<16xf32> to vector<16xf32>
      %sub3A = arith.subf %get3A_137, %get3A_140 : vector<16xf32>
      %get3A_141 = arith.index_cast %mul3A_135 : i32 to index
      %get3A_142 = tpu.vector_load %arg12[%get3A_141] {strides = array<i32>} : memref<6240xf32, #tpu.memory_space<vmem>>, vector<16xf32>,
      %get3A_143 = vector.shape_cast %get3A_142 : vector<16xf32> to vector<16xf32>
      %div3A = arith.divf %sub3A, %get3A_143 : vector<16xf32>
      %get3A_144 = arith.index_cast %mul3A_135 : i32 to index
      %get3A_145 = tpu.vector_load %arg15[%get3A_144] {strides = array<i32>} : memref<6240xf32, #tpu.memory_space<vmem>>, vector<16xf32>,
      %get3A_146 = vector.shape_cast %get3A_145 : vector<16xf32> to vector<16xf32>
      %mul3A_147 = arith.mulf %div3A, %get3A_146 : vector<16xf32>
      %swap3A = arith.index_cast %mul3A_135 : i32 to index
      %swap3A_148 = tpu.vector_load %arg16[%swap3A] {strides = array<i32>} : memref<6240xf32, #tpu.memory_space<vmem>>, vector<16xf32>,
      %swap3A_149 = vector.shape_cast %swap3A_148 : vector<16xf32> to vector<16xf32>
      %swap3A_150 = vector.shape_cast %mul3A_147 : vector<16xf32> to vector<16xf32>
      tpu.vector_store %arg16[%swap3A], %swap3A_150 {strides = array<i32>} : memref<6240xf32, #tpu.memory_space<vmem>>, vector<16xf32>,
    }
    %scan3A_82 = arith.constant 195 : i32
    %dma_start3A_83 = arith.constant 0 : i32
    %dma_start3A_84 = tpu.memref_slice %arg16[%dma_start3A_83] : memref<6240xf32, #tpu.memory_space<vmem>> -> memref<3120xf32, #tpu.memory_space<vmem>>
    %dma_start3A_85 = tpu.memref_slice %arg8[%mul3A_2] : memref<199680xf32, #tpu.memory_space<hbm>> -> memref<3120xf32, #tpu.memory_space<hbm>>
    %dma_start3A_86 = tpu.memref_slice %arg8[%mul3A_2] : memref<199680xf32, #tpu.memory_space<hbm>> -> memref<3120xf32, #tpu.memory_space<hbm>>
    %dma_start3A_87 = arith.constant 0 : i32
    %dma_start3A_88 = tpu.memref_slice %arg16[%dma_start3A_87] : memref<6240xf32, #tpu.memory_space<vmem>> -> memref<3120xf32, #tpu.memory_space<vmem>>
    tpu.enqueue_dma source(%dma_start3A_88 : memref<3120xf32, #tpu.memory_space<vmem>>) target(%dma_start3A_86 : memref<3120xf32, #tpu.memory_space<hbm>>) target_semaphore(%arg22 : memref<!tpu.dma_semaphore, #tpu.memory_space<semaphore_mem>>)
    %dma_wait3A_89 = arith.constant 3120 : i32
    %dma_wait3A_90 = tpu.memref_slice %arg13[%dma_wait3A_89] : memref<6240xf32, #tpu.memory_space<vmem>> -> memref<3120xf32, #tpu.memory_space<vmem>>
    %dma_wait3A_91 = arith.constant 3120 : i32
    %dma_wait3A_92 = tpu.memref_slice %arg9[%dma_wait3A_91] : memref<6240xi32, #tpu.memory_space<vmem>> -> memref<3120xi32, #tpu.memory_space<vmem>>
    %dma_wait3A_93 = arith.constant 0 : i32
    %dma_wait3A_94 = tpu.memref_slice %arg17[%dma_wait3A_93] : memref<100000xf32, #tpu.memory_space<vmem_shared>> -> memref<100000xf32, #tpu.memory_space<vmem_shared>>
    tpu.wait_indirect_dma semaphore(%arg21 : memref<!tpu.dma_semaphore, #tpu.memory_space<semaphore_mem>>) src(%dma_wait3A_94 : memref<100000xf32, #tpu.memory_space<vmem_shared>>) dst(%dma_wait3A_90 : memref<3120xf32, #tpu.memory_space<vmem>>)
    %dma_wait3A_95 = arith.constant 3120 : i32
    %dma_wait3A_96 = tpu.memref_slice %arg14[%dma_wait3A_95] : memref<6240xf32, #tpu.memory_space<vmem>> -> memref<3120xf32, #tpu.memory_space<vmem>>
    %dma_wait3A_97 = arith.constant 3120 : i32
    %dma_wait3A_98 = tpu.memref_slice %arg10[%dma_wait3A_97] : memref<6240xi32, #tpu.memory_space<vmem>> -> memref<3120xi32, #tpu.memory_space<vmem>>
    %dma_wait3A_99 = arith.constant 0 : i32
    %dma_wait3A_100 = tpu.memref_slice %arg17[%dma_wait3A_99] : memref<100000xf32, #tpu.memory_space<vmem_shared>> -> memref<100000xf32, #tpu.memory_space<vmem_shared>>
    tpu.wait_indirect_dma semaphore(%arg21 : memref<!tpu.dma_semaphore, #tpu.memory_space<semaphore_mem>>) src(%dma_wait3A_100 : memref<100000xf32, #tpu.memory_space<vmem_shared>>) dst(%dma_wait3A_96 : memref<3120xf32, #tpu.memory_space<vmem>>)
    %dma_wait3A_101 = arith.constant 3120 : i32
    %dma_wait3A_102 = tpu.memref_slice %arg15[%dma_wait3A_101] : memref<6240xf32, #tpu.memory_space<vmem>> -> memref<3120xf32, #tpu.memory_space<vmem>>
    %dma_wait3A_103 = arith.constant 3120 : i32
    %dma_wait3A_104 = tpu.memref_slice %arg11[%dma_wait3A_103] : memref<6240xi32, #tpu.memory_space<vmem>> -> memref<3120xi32, #tpu.memory_space<vmem>>
    %dma_wait3A_105 = arith.constant 0 : i32
    %dma_wait3A_106 = tpu.memref_slice %arg18[%dma_wait3A_105] : memref<199350xf32, #tpu.memory_space<vmem_shared>> -> memref<199350xf32, #tpu.memory_space<vmem_shared>>
    tpu.wait_indirect_dma semaphore(%arg21 : memref<!tpu.dma_semaphore, #tpu.memory_space<semaphore_mem>>) src(%dma_wait3A_106 : memref<199350xf32, #tpu.memory_space<vmem_shared>>) dst(%dma_wait3A_102 : memref<3120xf32, #tpu.memory_space<vmem>>)
    %scan3A_107 = arith.constant 0 : i32
    %scan3A_108 = arith.constant 195 : i32
    %scan3A_109 = arith.constant 195 : i32
    %scan3A_110 = arith.addi %scan3A_108, %scan3A_109 : i32
    %scan3A_111 = arith.constant 1 : i32
    scf.for %scan3A_133 = %scan3A_108 to %scan3A_110 step %scan3A_111  : i32 {
      %mul3A_134 = arith.constant 16 : i32
      %mul3A_135 = arith.muli %scan3A_133, %mul3A_134 : i32
      %get3A = arith.index_cast %mul3A_135 : i32 to index
      %get3A_136 = tpu.vector_load %arg13[%get3A] {strides = array<i32>} : memref<6240xf32, #tpu.memory_space<vmem>>, vector<16xf32>,
      %get3A_137 = vector.shape_cast %get3A_136 : vector<16xf32> to vector<16xf32>
      %get3A_138 = arith.index_cast %mul3A_135 : i32 to index
      %get3A_139 = tpu.vector_load %arg14[%get3A_138] {strides = array<i32>} : memref<6240xf32, #tpu.memory_space<vmem>>, vector<16xf32>,
      %get3A_140 = vector.shape_cast %get3A_139 : vector<16xf32> to vector<16xf32>
      %sub3A = arith.subf %get3A_137, %get3A_140 : vector<16xf32>
      %get3A_141 = arith.index_cast %mul3A_135 : i32 to index
      %get3A_142 = tpu.vector_load %arg12[%get3A_141] {strides = array<i32>} : memref<6240xf32, #tpu.memory_space<vmem>>, vector<16xf32>,
      %get3A_143 = vector.shape_cast %get3A_142 : vector<16xf32> to vector<16xf32>
      %div3A = arith.divf %sub3A, %get3A_143 : vector<16xf32>
      %get3A_144 = arith.index_cast %mul3A_135 : i32 to index
      %get3A_145 = tpu.vector_load %arg15[%get3A_144] {strides = array<i32>} : memref<6240xf32, #tpu.memory_space<vmem>>, vector<16xf32>,
      %get3A_146 = vector.shape_cast %get3A_145 : vector<16xf32> to vector<16xf32>
      %mul3A_147 = arith.mulf %div3A, %get3A_146 : vector<16xf32>
      %swap3A = arith.index_cast %mul3A_135 : i32 to index
      %swap3A_148 = tpu.vector_load %arg16[%swap3A] {strides = array<i32>} : memref<6240xf32, #tpu.memory_space<vmem>>, vector<16xf32>,
      %swap3A_149 = vector.shape_cast %swap3A_148 : vector<16xf32> to vector<16xf32>
      %swap3A_150 = vector.shape_cast %mul3A_147 : vector<16xf32> to vector<16xf32>
      tpu.vector_store %arg16[%swap3A], %swap3A_150 {strides = array<i32>} : memref<6240xf32, #tpu.memory_space<vmem>>, vector<16xf32>,
    }
    %scan3A_112 = arith.constant 195 : i32
    %add3A_113 = arith.constant 3120 : i32
    %add3A_114 = arith.addi %mul3A_2, %add3A_113 : i32
    %dma_start3A_115 = arith.constant 3120 : i32
    %dma_start3A_116 = tpu.memref_slice %arg16[%dma_start3A_115] : memref<6240xf32, #tpu.memory_space<vmem>> -> memref<3120xf32, #tpu.memory_space<vmem>>
    %dma_start3A_117 = tpu.memref_slice %arg8[%add3A_114] : memref<199680xf32, #tpu.memory_space<hbm>> -> memref<3120xf32, #tpu.memory_space<hbm>>
    %dma_start3A_118 = tpu.memref_slice %arg8[%add3A_114] : memref<199680xf32, #tpu.memory_space<hbm>> -> memref<3120xf32, #tpu.memory_space<hbm>>
    %dma_start3A_119 = arith.constant 3120 : i32
    %dma_start3A_120 = tpu.memref_slice %arg16[%dma_start3A_119] : memref<6240xf32, #tpu.memory_space<vmem>> -> memref<3120xf32, #tpu.memory_space<vmem>>
    tpu.enqueue_dma source(%dma_start3A_120 : memref<3120xf32, #tpu.memory_space<vmem>>) target(%dma_start3A_118 : memref<3120xf32, #tpu.memory_space<hbm>>) target_semaphore(%arg22 : memref<!tpu.dma_semaphore, #tpu.memory_space<semaphore_mem>>)
    %dma_wait3A_121 = arith.constant 0 : i32
    %dma_wait3A_122 = tpu.memref_slice %arg16[%dma_wait3A_121] : memref<6240xf32, #tpu.memory_space<vmem>> -> memref<3120xf32, #tpu.memory_space<vmem>>
    %dma_wait3A_123 = tpu.memref_slice %arg8[%mul3A_2] : memref<199680xf32, #tpu.memory_space<hbm>> -> memref<3120xf32, #tpu.memory_space<hbm>>
    %dma_wait3A_124 = tpu.memref_slice %arg8[%mul3A_2] : memref<199680xf32, #tpu.memory_space<hbm>> -> memref<3120xf32, #tpu.memory_space<hbm>>
    %dma_wait3A_125 = arith.constant 0 : i32
    %dma_wait3A_126 = tpu.memref_slice %arg16[%dma_wait3A_125] : memref<6240xf32, #tpu.memory_space<vmem>> -> memref<3120xf32, #tpu.memory_space<vmem>>
    tpu.wait_dma2 semaphore(%arg22 : memref<!tpu.dma_semaphore, #tpu.memory_space<semaphore_mem>>) src(%dma_wait3A_126 : memref<3120xf32, #tpu.memory_space<vmem>>) dst(%dma_wait3A_124 : memref<3120xf32, #tpu.memory_space<hbm>>)
    %dma_wait3A_127 = arith.constant 3120 : i32
    %dma_wait3A_128 = tpu.memref_slice %arg16[%dma_wait3A_127] : memref<6240xf32, #tpu.memory_space<vmem>> -> memref<3120xf32, #tpu.memory_space<vmem>>
    %dma_wait3A_129 = tpu.memref_slice %arg8[%add3A_114] : memref<199680xf32, #tpu.memory_space<hbm>> -> memref<3120xf32, #tpu.memory_space<hbm>>
    %dma_wait3A_130 = tpu.memref_slice %arg8[%add3A_114] : memref<199680xf32, #tpu.memory_space<hbm>> -> memref<3120xf32, #tpu.memory_space<hbm>>
    %dma_wait3A_131 = arith.constant 3120 : i32
    %dma_wait3A_132 = tpu.memref_slice %arg16[%dma_wait3A_131] : memref<6240xf32, #tpu.memory_space<vmem>> -> memref<3120xf32, #tpu.memory_space<vmem>>
    tpu.wait_dma2 semaphore(%arg22 : memref<!tpu.dma_semaphore, #tpu.memory_space<semaphore_mem>>) src(%dma_wait3A_132 : memref<3120xf32, #tpu.memory_space<vmem>>) dst(%dma_wait3A_130 : memref<3120xf32, #tpu.memory_space<hbm>>)
    return
  }
}

#map = affine_map<(d0, d1) -> (0)>
module attributes {stable_mosaic.version = 14 : i64} {
  func.func @_div_kernel(%arg0: i32, %arg1: i32, %arg2: memref<199680xf32, #tpu.memory_space<hbm>>, %arg3: memref<401408xi32, #tpu.memory_space<hbm>>, %arg4: memref<401408xf32, #tpu.memory_space<hbm>>, %arg5: memref<100352xf32, #tpu.memory_space<hbm>>, %arg6: memref<100352xf32, #tpu.memory_space<hbm>>, %arg7: memref<12544xi32, #tpu.memory_space<vmem>>, %arg8: memref<12544xf32, #tpu.memory_space<vmem>>, %arg9: memref<12544xf32, #tpu.memory_space<vmem>>, %arg10: memref<3136xf32, #tpu.memory_space<vmem>>, %arg11: memref<3136xf32, #tpu.memory_space<vmem>>, %arg12: memref<199680xf32, #tpu.memory_space<vmem_shared>>, %arg13: memref<!tpu.dma_semaphore, #tpu.memory_space<semaphore_mem>>, %arg14: memref<!tpu.dma_semaphore, #tpu.memory_space<semaphore_mem>>, %arg15: memref<!tpu.dma_semaphore, #tpu.memory_space<semaphore_mem>>) attributes {dimension_semantics = [#tpu.dimension_semantics<core_parallel>, #tpu.dimension_semantics<subcore_parallel>], iteration_bounds = array<i64: 2, 16>, scalar_prefetch = 0 : i64, scratch_operands = 9 : i64, tpu.core_type = #tpu.core_type<sc_vector_subcore>, window_params = [{transform_indices = #map}, {transform_indices = #map}, {transform_indices = #map}, {transform_indices = #map}, {transform_indices = #map}]} {
    %mul3A = arith.constant 2 : i32
    %mul3A_0 = arith.muli %arg1, %mul3A : i32
    %add3A = arith.addi %mul3A_0, %arg0 : i32
    %mul3A_1 = arith.constant 3136 : i32
    %mul3A_2 = arith.muli %add3A, %mul3A_1 : i32
    %eq3A = arith.constant 0 : i32
    %eq3A_3 = arith.cmpi eq, %arg1, %eq3A : i32
    %convert_element_type3A = arith.extui %eq3A_3 : i1 to i32
    %cond3A = arith.constant 0 : i32
    %cond3A_4 = arith.cmpi ne, %convert_element_type3A, %cond3A : i32
    scf.if %cond3A_4 {
      "tpu.region"() ({
        %run_scoped3A = tpu.sem_alloc : memref<!tpu.dma_semaphore, #tpu.memory_space<semaphore_mem>>
        tpu.enqueue_dma source(%arg2 : memref<199680xf32, #tpu.memory_space<hbm>>) target(%arg12 : memref<199680xf32, #tpu.memory_space<vmem_shared>>) target_semaphore(%run_scoped3A : memref<!tpu.dma_semaphore, #tpu.memory_space<semaphore_mem>>)
        tpu.wait_dma2 semaphore(%run_scoped3A : memref<!tpu.dma_semaphore, #tpu.memory_space<semaphore_mem>>) src(%arg2 : memref<199680xf32, #tpu.memory_space<hbm>>) dst(%arg12 : memref<199680xf32, #tpu.memory_space<vmem_shared>>)
        tpu.yield
      }) : () -> ()
    } else {
    }
    %add3A_5 = arith.constant 0 : i32
    %add3A_6 = arith.addi %add3A_5, %mul3A_2 : i32
    %dma_start3A = arith.constant 0 : i32
    %dma_start3A_7 = tpu.memref_slice %arg7[%dma_start3A] : memref<12544xi32, #tpu.memory_space<vmem>> -> memref<3136xi32, #tpu.memory_space<vmem>>
    %dma_start3A_8 = tpu.memref_slice %arg3[%add3A_6] : memref<401408xi32, #tpu.memory_space<hbm>> -> memref<3136xi32, #tpu.memory_space<hbm>>
    %dma_start3A_9 = arith.constant 0 : i32
    %dma_start3A_10 = tpu.memref_slice %arg7[%dma_start3A_9] : memref<12544xi32, #tpu.memory_space<vmem>> -> memref<3136xi32, #tpu.memory_space<vmem>>
    %dma_start3A_11 = tpu.memref_slice %arg3[%add3A_6] : memref<401408xi32, #tpu.memory_space<hbm>> -> memref<3136xi32, #tpu.memory_space<hbm>>
    tpu.enqueue_dma source(%dma_start3A_11 : memref<3136xi32, #tpu.memory_space<hbm>>) target(%dma_start3A_10 : memref<3136xi32, #tpu.memory_space<vmem>>) target_semaphore(%arg13 : memref<!tpu.dma_semaphore, #tpu.memory_space<semaphore_mem>>)
    %add3A_12 = arith.constant 100352 : i32
    %add3A_13 = arith.addi %add3A_12, %mul3A_2 : i32
    %dma_start3A_14 = arith.constant 3136 : i32
    %dma_start3A_15 = tpu.memref_slice %arg7[%dma_start3A_14] : memref<12544xi32, #tpu.memory_space<vmem>> -> memref<3136xi32, #tpu.memory_space<vmem>>
    %dma_start3A_16 = tpu.memref_slice %arg3[%add3A_13] : memref<401408xi32, #tpu.memory_space<hbm>> -> memref<3136xi32, #tpu.memory_space<hbm>>
    %dma_start3A_17 = arith.constant 3136 : i32
    %dma_start3A_18 = tpu.memref_slice %arg7[%dma_start3A_17] : memref<12544xi32, #tpu.memory_space<vmem>> -> memref<3136xi32, #tpu.memory_space<vmem>>
    %dma_start3A_19 = tpu.memref_slice %arg3[%add3A_13] : memref<401408xi32, #tpu.memory_space<hbm>> -> memref<3136xi32, #tpu.memory_space<hbm>>
    tpu.enqueue_dma source(%dma_start3A_19 : memref<3136xi32, #tpu.memory_space<hbm>>) target(%dma_start3A_18 : memref<3136xi32, #tpu.memory_space<vmem>>) target_semaphore(%arg13 : memref<!tpu.dma_semaphore, #tpu.memory_space<semaphore_mem>>)
    %add3A_20 = arith.constant 200704 : i32
    %add3A_21 = arith.addi %add3A_20, %mul3A_2 : i32
    %dma_start3A_22 = arith.constant 6272 : i32
    %dma_start3A_23 = tpu.memref_slice %arg7[%dma_start3A_22] : memref<12544xi32, #tpu.memory_space<vmem>> -> memref<3136xi32, #tpu.memory_space<vmem>>
    %dma_start3A_24 = tpu.memref_slice %arg3[%add3A_21] : memref<401408xi32, #tpu.memory_space<hbm>> -> memref<3136xi32, #tpu.memory_space<hbm>>
    %dma_start3A_25 = arith.constant 6272 : i32
    %dma_start3A_26 = tpu.memref_slice %arg7[%dma_start3A_25] : memref<12544xi32, #tpu.memory_space<vmem>> -> memref<3136xi32, #tpu.memory_space<vmem>>
    %dma_start3A_27 = tpu.memref_slice %arg3[%add3A_21] : memref<401408xi32, #tpu.memory_space<hbm>> -> memref<3136xi32, #tpu.memory_space<hbm>>
    tpu.enqueue_dma source(%dma_start3A_27 : memref<3136xi32, #tpu.memory_space<hbm>>) target(%dma_start3A_26 : memref<3136xi32, #tpu.memory_space<vmem>>) target_semaphore(%arg13 : memref<!tpu.dma_semaphore, #tpu.memory_space<semaphore_mem>>)
    %add3A_28 = arith.constant 301056 : i32
    %add3A_29 = arith.addi %add3A_28, %mul3A_2 : i32
    %dma_start3A_30 = arith.constant 9408 : i32
    %dma_start3A_31 = tpu.memref_slice %arg7[%dma_start3A_30] : memref<12544xi32, #tpu.memory_space<vmem>> -> memref<3136xi32, #tpu.memory_space<vmem>>
    %dma_start3A_32 = tpu.memref_slice %arg3[%add3A_29] : memref<401408xi32, #tpu.memory_space<hbm>> -> memref<3136xi32, #tpu.memory_space<hbm>>
    %dma_start3A_33 = arith.constant 9408 : i32
    %dma_start3A_34 = tpu.memref_slice %arg7[%dma_start3A_33] : memref<12544xi32, #tpu.memory_space<vmem>> -> memref<3136xi32, #tpu.memory_space<vmem>>
    %dma_start3A_35 = tpu.memref_slice %arg3[%add3A_29] : memref<401408xi32, #tpu.memory_space<hbm>> -> memref<3136xi32, #tpu.memory_space<hbm>>
    tpu.enqueue_dma source(%dma_start3A_35 : memref<3136xi32, #tpu.memory_space<hbm>>) target(%dma_start3A_34 : memref<3136xi32, #tpu.memory_space<vmem>>) target_semaphore(%arg13 : memref<!tpu.dma_semaphore, #tpu.memory_space<semaphore_mem>>)
    %add3A_36 = arith.constant 0 : i32
    %add3A_37 = arith.addi %add3A_36, %mul3A_2 : i32
    %dma_start3A_38 = arith.constant 0 : i32
    %dma_start3A_39 = tpu.memref_slice %arg8[%dma_start3A_38] : memref<12544xf32, #tpu.memory_space<vmem>> -> memref<3136xf32, #tpu.memory_space<vmem>>
    %dma_start3A_40 = tpu.memref_slice %arg4[%add3A_37] : memref<401408xf32, #tpu.memory_space<hbm>> -> memref<3136xf32, #tpu.memory_space<hbm>>
    %dma_start3A_41 = arith.constant 0 : i32
    %dma_start3A_42 = tpu.memref_slice %arg8[%dma_start3A_41] : memref<12544xf32, #tpu.memory_space<vmem>> -> memref<3136xf32, #tpu.memory_space<vmem>>
    %dma_start3A_43 = tpu.memref_slice %arg4[%add3A_37] : memref<401408xf32, #tpu.memory_space<hbm>> -> memref<3136xf32, #tpu.memory_space<hbm>>
    tpu.enqueue_dma source(%dma_start3A_43 : memref<3136xf32, #tpu.memory_space<hbm>>) target(%dma_start3A_42 : memref<3136xf32, #tpu.memory_space<vmem>>) target_semaphore(%arg14 : memref<!tpu.dma_semaphore, #tpu.memory_space<semaphore_mem>>)
    %add3A_44 = arith.constant 100352 : i32
    %add3A_45 = arith.addi %add3A_44, %mul3A_2 : i32
    %dma_start3A_46 = arith.constant 3136 : i32
    %dma_start3A_47 = tpu.memref_slice %arg8[%dma_start3A_46] : memref<12544xf32, #tpu.memory_space<vmem>> -> memref<3136xf32, #tpu.memory_space<vmem>>
    %dma_start3A_48 = tpu.memref_slice %arg4[%add3A_45] : memref<401408xf32, #tpu.memory_space<hbm>> -> memref<3136xf32, #tpu.memory_space<hbm>>
    %dma_start3A_49 = arith.constant 3136 : i32
    %dma_start3A_50 = tpu.memref_slice %arg8[%dma_start3A_49] : memref<12544xf32, #tpu.memory_space<vmem>> -> memref<3136xf32, #tpu.memory_space<vmem>>
    %dma_start3A_51 = tpu.memref_slice %arg4[%add3A_45] : memref<401408xf32, #tpu.memory_space<hbm>> -> memref<3136xf32, #tpu.memory_space<hbm>>
    tpu.enqueue_dma source(%dma_start3A_51 : memref<3136xf32, #tpu.memory_space<hbm>>) target(%dma_start3A_50 : memref<3136xf32, #tpu.memory_space<vmem>>) target_semaphore(%arg14 : memref<!tpu.dma_semaphore, #tpu.memory_space<semaphore_mem>>)
    %add3A_52 = arith.constant 200704 : i32
    %add3A_53 = arith.addi %add3A_52, %mul3A_2 : i32
    %dma_start3A_54 = arith.constant 6272 : i32
    %dma_start3A_55 = tpu.memref_slice %arg8[%dma_start3A_54] : memref<12544xf32, #tpu.memory_space<vmem>> -> memref<3136xf32, #tpu.memory_space<vmem>>
    %dma_start3A_56 = tpu.memref_slice %arg4[%add3A_53] : memref<401408xf32, #tpu.memory_space<hbm>> -> memref<3136xf32, #tpu.memory_space<hbm>>
    %dma_start3A_57 = arith.constant 6272 : i32
    %dma_start3A_58 = tpu.memref_slice %arg8[%dma_start3A_57] : memref<12544xf32, #tpu.memory_space<vmem>> -> memref<3136xf32, #tpu.memory_space<vmem>>
    %dma_start3A_59 = tpu.memref_slice %arg4[%add3A_53] : memref<401408xf32, #tpu.memory_space<hbm>> -> memref<3136xf32, #tpu.memory_space<hbm>>
    tpu.enqueue_dma source(%dma_start3A_59 : memref<3136xf32, #tpu.memory_space<hbm>>) target(%dma_start3A_58 : memref<3136xf32, #tpu.memory_space<vmem>>) target_semaphore(%arg14 : memref<!tpu.dma_semaphore, #tpu.memory_space<semaphore_mem>>)
    %add3A_60 = arith.constant 301056 : i32
    %add3A_61 = arith.addi %add3A_60, %mul3A_2 : i32
    %dma_start3A_62 = arith.constant 9408 : i32
    %dma_start3A_63 = tpu.memref_slice %arg8[%dma_start3A_62] : memref<12544xf32, #tpu.memory_space<vmem>> -> memref<3136xf32, #tpu.memory_space<vmem>>
    %dma_start3A_64 = tpu.memref_slice %arg4[%add3A_61] : memref<401408xf32, #tpu.memory_space<hbm>> -> memref<3136xf32, #tpu.memory_space<hbm>>
    %dma_start3A_65 = arith.constant 9408 : i32
    %dma_start3A_66 = tpu.memref_slice %arg8[%dma_start3A_65] : memref<12544xf32, #tpu.memory_space<vmem>> -> memref<3136xf32, #tpu.memory_space<vmem>>
    %dma_start3A_67 = tpu.memref_slice %arg4[%add3A_61] : memref<401408xf32, #tpu.memory_space<hbm>> -> memref<3136xf32, #tpu.memory_space<hbm>>
    tpu.enqueue_dma source(%dma_start3A_67 : memref<3136xf32, #tpu.memory_space<hbm>>) target(%dma_start3A_66 : memref<3136xf32, #tpu.memory_space<vmem>>) target_semaphore(%arg14 : memref<!tpu.dma_semaphore, #tpu.memory_space<semaphore_mem>>)
    %dma_start3A_68 = tpu.memref_slice %arg5[%mul3A_2] : memref<100352xf32, #tpu.memory_space<hbm>> -> memref<3136xf32, #tpu.memory_space<hbm>>
    %dma_start3A_69 = tpu.memref_slice %arg5[%mul3A_2] : memref<100352xf32, #tpu.memory_space<hbm>> -> memref<3136xf32, #tpu.memory_space<hbm>>
    tpu.enqueue_dma source(%dma_start3A_69 : memref<3136xf32, #tpu.memory_space<hbm>>) target(%arg10 : memref<3136xf32, #tpu.memory_space<vmem>>) target_semaphore(%arg14 : memref<!tpu.dma_semaphore, #tpu.memory_space<semaphore_mem>>)
    %dma_wait3A = arith.constant 0 : i32
    %dma_wait3A_70 = tpu.memref_slice %arg7[%dma_wait3A] : memref<12544xi32, #tpu.memory_space<vmem>> -> memref<3136xi32, #tpu.memory_space<vmem>>
    %dma_wait3A_71 = tpu.memref_slice %arg3[%add3A_6] : memref<401408xi32, #tpu.memory_space<hbm>> -> memref<3136xi32, #tpu.memory_space<hbm>>
    %dma_wait3A_72 = arith.constant 0 : i32
    %dma_wait3A_73 = tpu.memref_slice %arg7[%dma_wait3A_72] : memref<12544xi32, #tpu.memory_space<vmem>> -> memref<3136xi32, #tpu.memory_space<vmem>>
    %dma_wait3A_74 = tpu.memref_slice %arg3[%add3A_6] : memref<401408xi32, #tpu.memory_space<hbm>> -> memref<3136xi32, #tpu.memory_space<hbm>>
    tpu.wait_dma2 semaphore(%arg13 : memref<!tpu.dma_semaphore, #tpu.memory_space<semaphore_mem>>) src(%dma_wait3A_74 : memref<3136xi32, #tpu.memory_space<hbm>>) dst(%dma_wait3A_73 : memref<3136xi32, #tpu.memory_space<vmem>>)
    %dma_wait3A_75 = arith.constant 3136 : i32
    %dma_wait3A_76 = tpu.memref_slice %arg7[%dma_wait3A_75] : memref<12544xi32, #tpu.memory_space<vmem>> -> memref<3136xi32, #tpu.memory_space<vmem>>
    %dma_wait3A_77 = tpu.memref_slice %arg3[%add3A_13] : memref<401408xi32, #tpu.memory_space<hbm>> -> memref<3136xi32, #tpu.memory_space<hbm>>
    %dma_wait3A_78 = arith.constant 3136 : i32
    %dma_wait3A_79 = tpu.memref_slice %arg7[%dma_wait3A_78] : memref<12544xi32, #tpu.memory_space<vmem>> -> memref<3136xi32, #tpu.memory_space<vmem>>
    %dma_wait3A_80 = tpu.memref_slice %arg3[%add3A_13] : memref<401408xi32, #tpu.memory_space<hbm>> -> memref<3136xi32, #tpu.memory_space<hbm>>
    tpu.wait_dma2 semaphore(%arg13 : memref<!tpu.dma_semaphore, #tpu.memory_space<semaphore_mem>>) src(%dma_wait3A_80 : memref<3136xi32, #tpu.memory_space<hbm>>) dst(%dma_wait3A_79 : memref<3136xi32, #tpu.memory_space<vmem>>)
    %dma_wait3A_81 = arith.constant 6272 : i32
    %dma_wait3A_82 = tpu.memref_slice %arg7[%dma_wait3A_81] : memref<12544xi32, #tpu.memory_space<vmem>> -> memref<3136xi32, #tpu.memory_space<vmem>>
    %dma_wait3A_83 = tpu.memref_slice %arg3[%add3A_21] : memref<401408xi32, #tpu.memory_space<hbm>> -> memref<3136xi32, #tpu.memory_space<hbm>>
    %dma_wait3A_84 = arith.constant 6272 : i32
    %dma_wait3A_85 = tpu.memref_slice %arg7[%dma_wait3A_84] : memref<12544xi32, #tpu.memory_space<vmem>> -> memref<3136xi32, #tpu.memory_space<vmem>>
    %dma_wait3A_86 = tpu.memref_slice %arg3[%add3A_21] : memref<401408xi32, #tpu.memory_space<hbm>> -> memref<3136xi32, #tpu.memory_space<hbm>>
    tpu.wait_dma2 semaphore(%arg13 : memref<!tpu.dma_semaphore, #tpu.memory_space<semaphore_mem>>) src(%dma_wait3A_86 : memref<3136xi32, #tpu.memory_space<hbm>>) dst(%dma_wait3A_85 : memref<3136xi32, #tpu.memory_space<vmem>>)
    %dma_wait3A_87 = arith.constant 9408 : i32
    %dma_wait3A_88 = tpu.memref_slice %arg7[%dma_wait3A_87] : memref<12544xi32, #tpu.memory_space<vmem>> -> memref<3136xi32, #tpu.memory_space<vmem>>
    %dma_wait3A_89 = tpu.memref_slice %arg3[%add3A_29] : memref<401408xi32, #tpu.memory_space<hbm>> -> memref<3136xi32, #tpu.memory_space<hbm>>
    %dma_wait3A_90 = arith.constant 9408 : i32
    %dma_wait3A_91 = tpu.memref_slice %arg7[%dma_wait3A_90] : memref<12544xi32, #tpu.memory_space<vmem>> -> memref<3136xi32, #tpu.memory_space<vmem>>
    %dma_wait3A_92 = tpu.memref_slice %arg3[%add3A_29] : memref<401408xi32, #tpu.memory_space<hbm>> -> memref<3136xi32, #tpu.memory_space<hbm>>
    tpu.wait_dma2 semaphore(%arg13 : memref<!tpu.dma_semaphore, #tpu.memory_space<semaphore_mem>>) src(%dma_wait3A_92 : memref<3136xi32, #tpu.memory_space<hbm>>) dst(%dma_wait3A_91 : memref<3136xi32, #tpu.memory_space<vmem>>)
    %barrier3A = arith.constant 0 : index
    tpu.barrier barrier_id(%barrier3A)
    %dma_start3A_93 = arith.constant 0 : i32
    %dma_start3A_94 = tpu.memref_slice %arg9[%dma_start3A_93] : memref<12544xf32, #tpu.memory_space<vmem>> -> memref<3136xf32, #tpu.memory_space<vmem>>
    %dma_start3A_95 = arith.constant 0 : i32
    %dma_start3A_96 = tpu.memref_slice %arg7[%dma_start3A_95] : memref<12544xi32, #tpu.memory_space<vmem>> -> memref<3136xi32, #tpu.memory_space<vmem>>
    %dma_start3A_97 = arith.constant 0 : i32
    %dma_start3A_98 = tpu.memref_slice %arg12[%dma_start3A_97] : memref<199680xf32, #tpu.memory_space<vmem_shared>> -> memref<199680xf32, #tpu.memory_space<vmem_shared>>
    tpu.enqueue_indirect_dma source(%dma_start3A_98 : memref<199680xf32, #tpu.memory_space<vmem_shared>>) target(%dma_start3A_94 : memref<3136xf32, #tpu.memory_space<vmem>>) offsets(%dma_start3A_96 : memref<3136xi32, #tpu.memory_space<vmem>>) semaphore(%arg15 : memref<!tpu.dma_semaphore, #tpu.memory_space<semaphore_mem>>)
    %dma_start3A_99 = arith.constant 3136 : i32
    %dma_start3A_100 = tpu.memref_slice %arg9[%dma_start3A_99] : memref<12544xf32, #tpu.memory_space<vmem>> -> memref<3136xf32, #tpu.memory_space<vmem>>
    %dma_start3A_101 = arith.constant 3136 : i32
    %dma_start3A_102 = tpu.memref_slice %arg7[%dma_start3A_101] : memref<12544xi32, #tpu.memory_space<vmem>> -> memref<3136xi32, #tpu.memory_space<vmem>>
    %dma_start3A_103 = arith.constant 0 : i32
    %dma_start3A_104 = tpu.memref_slice %arg12[%dma_start3A_103] : memref<199680xf32, #tpu.memory_space<vmem_shared>> -> memref<199680xf32, #tpu.memory_space<vmem_shared>>
    tpu.enqueue_indirect_dma source(%dma_start3A_104 : memref<199680xf32, #tpu.memory_space<vmem_shared>>) target(%dma_start3A_100 : memref<3136xf32, #tpu.memory_space<vmem>>) offsets(%dma_start3A_102 : memref<3136xi32, #tpu.memory_space<vmem>>) semaphore(%arg15 : memref<!tpu.dma_semaphore, #tpu.memory_space<semaphore_mem>>)
    %dma_start3A_105 = arith.constant 6272 : i32
    %dma_start3A_106 = tpu.memref_slice %arg9[%dma_start3A_105] : memref<12544xf32, #tpu.memory_space<vmem>> -> memref<3136xf32, #tpu.memory_space<vmem>>
    %dma_start3A_107 = arith.constant 6272 : i32
    %dma_start3A_108 = tpu.memref_slice %arg7[%dma_start3A_107] : memref<12544xi32, #tpu.memory_space<vmem>> -> memref<3136xi32, #tpu.memory_space<vmem>>
    %dma_start3A_109 = arith.constant 0 : i32
    %dma_start3A_110 = tpu.memref_slice %arg12[%dma_start3A_109] : memref<199680xf32, #tpu.memory_space<vmem_shared>> -> memref<199680xf32, #tpu.memory_space<vmem_shared>>
    tpu.enqueue_indirect_dma source(%dma_start3A_110 : memref<199680xf32, #tpu.memory_space<vmem_shared>>) target(%dma_start3A_106 : memref<3136xf32, #tpu.memory_space<vmem>>) offsets(%dma_start3A_108 : memref<3136xi32, #tpu.memory_space<vmem>>) semaphore(%arg15 : memref<!tpu.dma_semaphore, #tpu.memory_space<semaphore_mem>>)
    %dma_start3A_111 = arith.constant 9408 : i32
    %dma_start3A_112 = tpu.memref_slice %arg9[%dma_start3A_111] : memref<12544xf32, #tpu.memory_space<vmem>> -> memref<3136xf32, #tpu.memory_space<vmem>>
    %dma_start3A_113 = arith.constant 9408 : i32
    %dma_start3A_114 = tpu.memref_slice %arg7[%dma_start3A_113] : memref<12544xi32, #tpu.memory_space<vmem>> -> memref<3136xi32, #tpu.memory_space<vmem>>
    %dma_start3A_115 = arith.constant 0 : i32
    %dma_start3A_116 = tpu.memref_slice %arg12[%dma_start3A_115] : memref<199680xf32, #tpu.memory_space<vmem_shared>> -> memref<199680xf32, #tpu.memory_space<vmem_shared>>
    tpu.enqueue_indirect_dma source(%dma_start3A_116 : memref<199680xf32, #tpu.memory_space<vmem_shared>>) target(%dma_start3A_112 : memref<3136xf32, #tpu.memory_space<vmem>>) offsets(%dma_start3A_114 : memref<3136xi32, #tpu.memory_space<vmem>>) semaphore(%arg15 : memref<!tpu.dma_semaphore, #tpu.memory_space<semaphore_mem>>)
    %dma_wait3A_117 = arith.constant 0 : i32
    %dma_wait3A_118 = tpu.memref_slice %arg8[%dma_wait3A_117] : memref<12544xf32, #tpu.memory_space<vmem>> -> memref<3136xf32, #tpu.memory_space<vmem>>
    %dma_wait3A_119 = tpu.memref_slice %arg4[%add3A_37] : memref<401408xf32, #tpu.memory_space<hbm>> -> memref<3136xf32, #tpu.memory_space<hbm>>
    %dma_wait3A_120 = arith.constant 0 : i32
    %dma_wait3A_121 = tpu.memref_slice %arg8[%dma_wait3A_120] : memref<12544xf32, #tpu.memory_space<vmem>> -> memref<3136xf32, #tpu.memory_space<vmem>>
    %dma_wait3A_122 = tpu.memref_slice %arg4[%add3A_37] : memref<401408xf32, #tpu.memory_space<hbm>> -> memref<3136xf32, #tpu.memory_space<hbm>>
    tpu.wait_dma2 semaphore(%arg14 : memref<!tpu.dma_semaphore, #tpu.memory_space<semaphore_mem>>) src(%dma_wait3A_122 : memref<3136xf32, #tpu.memory_space<hbm>>) dst(%dma_wait3A_121 : memref<3136xf32, #tpu.memory_space<vmem>>)
    %dma_wait3A_123 = arith.constant 3136 : i32
    %dma_wait3A_124 = tpu.memref_slice %arg8[%dma_wait3A_123] : memref<12544xf32, #tpu.memory_space<vmem>> -> memref<3136xf32, #tpu.memory_space<vmem>>
    %dma_wait3A_125 = tpu.memref_slice %arg4[%add3A_45] : memref<401408xf32, #tpu.memory_space<hbm>> -> memref<3136xf32, #tpu.memory_space<hbm>>
    %dma_wait3A_126 = arith.constant 3136 : i32
    %dma_wait3A_127 = tpu.memref_slice %arg8[%dma_wait3A_126] : memref<12544xf32, #tpu.memory_space<vmem>> -> memref<3136xf32, #tpu.memory_space<vmem>>
    %dma_wait3A_128 = tpu.memref_slice %arg4[%add3A_45] : memref<401408xf32, #tpu.memory_space<hbm>> -> memref<3136xf32, #tpu.memory_space<hbm>>
    tpu.wait_dma2 semaphore(%arg14 : memref<!tpu.dma_semaphore, #tpu.memory_space<semaphore_mem>>) src(%dma_wait3A_128 : memref<3136xf32, #tpu.memory_space<hbm>>) dst(%dma_wait3A_127 : memref<3136xf32, #tpu.memory_space<vmem>>)
    %dma_wait3A_129 = arith.constant 6272 : i32
    %dma_wait3A_130 = tpu.memref_slice %arg8[%dma_wait3A_129] : memref<12544xf32, #tpu.memory_space<vmem>> -> memref<3136xf32, #tpu.memory_space<vmem>>
    %dma_wait3A_131 = tpu.memref_slice %arg4[%add3A_53] : memref<401408xf32, #tpu.memory_space<hbm>> -> memref<3136xf32, #tpu.memory_space<hbm>>
    %dma_wait3A_132 = arith.constant 6272 : i32
    %dma_wait3A_133 = tpu.memref_slice %arg8[%dma_wait3A_132] : memref<12544xf32, #tpu.memory_space<vmem>> -> memref<3136xf32, #tpu.memory_space<vmem>>
    %dma_wait3A_134 = tpu.memref_slice %arg4[%add3A_53] : memref<401408xf32, #tpu.memory_space<hbm>> -> memref<3136xf32, #tpu.memory_space<hbm>>
    tpu.wait_dma2 semaphore(%arg14 : memref<!tpu.dma_semaphore, #tpu.memory_space<semaphore_mem>>) src(%dma_wait3A_134 : memref<3136xf32, #tpu.memory_space<hbm>>) dst(%dma_wait3A_133 : memref<3136xf32, #tpu.memory_space<vmem>>)
    %dma_wait3A_135 = arith.constant 9408 : i32
    %dma_wait3A_136 = tpu.memref_slice %arg8[%dma_wait3A_135] : memref<12544xf32, #tpu.memory_space<vmem>> -> memref<3136xf32, #tpu.memory_space<vmem>>
    %dma_wait3A_137 = tpu.memref_slice %arg4[%add3A_61] : memref<401408xf32, #tpu.memory_space<hbm>> -> memref<3136xf32, #tpu.memory_space<hbm>>
    %dma_wait3A_138 = arith.constant 9408 : i32
    %dma_wait3A_139 = tpu.memref_slice %arg8[%dma_wait3A_138] : memref<12544xf32, #tpu.memory_space<vmem>> -> memref<3136xf32, #tpu.memory_space<vmem>>
    %dma_wait3A_140 = tpu.memref_slice %arg4[%add3A_61] : memref<401408xf32, #tpu.memory_space<hbm>> -> memref<3136xf32, #tpu.memory_space<hbm>>
    tpu.wait_dma2 semaphore(%arg14 : memref<!tpu.dma_semaphore, #tpu.memory_space<semaphore_mem>>) src(%dma_wait3A_140 : memref<3136xf32, #tpu.memory_space<hbm>>) dst(%dma_wait3A_139 : memref<3136xf32, #tpu.memory_space<vmem>>)
    %dma_wait3A_141 = tpu.memref_slice %arg5[%mul3A_2] : memref<100352xf32, #tpu.memory_space<hbm>> -> memref<3136xf32, #tpu.memory_space<hbm>>
    %dma_wait3A_142 = tpu.memref_slice %arg5[%mul3A_2] : memref<100352xf32, #tpu.memory_space<hbm>> -> memref<3136xf32, #tpu.memory_space<hbm>>
    tpu.wait_dma2 semaphore(%arg14 : memref<!tpu.dma_semaphore, #tpu.memory_space<semaphore_mem>>) src(%dma_wait3A_142 : memref<3136xf32, #tpu.memory_space<hbm>>) dst(%arg10 : memref<3136xf32, #tpu.memory_space<vmem>>)
    %dma_wait3A_143 = arith.constant 0 : i32
    %dma_wait3A_144 = tpu.memref_slice %arg9[%dma_wait3A_143] : memref<12544xf32, #tpu.memory_space<vmem>> -> memref<3136xf32, #tpu.memory_space<vmem>>
    %dma_wait3A_145 = arith.constant 0 : i32
    %dma_wait3A_146 = tpu.memref_slice %arg7[%dma_wait3A_145] : memref<12544xi32, #tpu.memory_space<vmem>> -> memref<3136xi32, #tpu.memory_space<vmem>>
    %dma_wait3A_147 = arith.constant 0 : i32
    %dma_wait3A_148 = tpu.memref_slice %arg12[%dma_wait3A_147] : memref<199680xf32, #tpu.memory_space<vmem_shared>> -> memref<199680xf32, #tpu.memory_space<vmem_shared>>
    tpu.wait_indirect_dma semaphore(%arg15 : memref<!tpu.dma_semaphore, #tpu.memory_space<semaphore_mem>>) src(%dma_wait3A_148 : memref<199680xf32, #tpu.memory_space<vmem_shared>>) dst(%dma_wait3A_144 : memref<3136xf32, #tpu.memory_space<vmem>>)
    %dma_wait3A_149 = arith.constant 3136 : i32
    %dma_wait3A_150 = tpu.memref_slice %arg9[%dma_wait3A_149] : memref<12544xf32, #tpu.memory_space<vmem>> -> memref<3136xf32, #tpu.memory_space<vmem>>
    %dma_wait3A_151 = arith.constant 3136 : i32
    %dma_wait3A_152 = tpu.memref_slice %arg7[%dma_wait3A_151] : memref<12544xi32, #tpu.memory_space<vmem>> -> memref<3136xi32, #tpu.memory_space<vmem>>
    %dma_wait3A_153 = arith.constant 0 : i32
    %dma_wait3A_154 = tpu.memref_slice %arg12[%dma_wait3A_153] : memref<199680xf32, #tpu.memory_space<vmem_shared>> -> memref<199680xf32, #tpu.memory_space<vmem_shared>>
    tpu.wait_indirect_dma semaphore(%arg15 : memref<!tpu.dma_semaphore, #tpu.memory_space<semaphore_mem>>) src(%dma_wait3A_154 : memref<199680xf32, #tpu.memory_space<vmem_shared>>) dst(%dma_wait3A_150 : memref<3136xf32, #tpu.memory_space<vmem>>)
    %dma_wait3A_155 = arith.constant 6272 : i32
    %dma_wait3A_156 = tpu.memref_slice %arg9[%dma_wait3A_155] : memref<12544xf32, #tpu.memory_space<vmem>> -> memref<3136xf32, #tpu.memory_space<vmem>>
    %dma_wait3A_157 = arith.constant 6272 : i32
    %dma_wait3A_158 = tpu.memref_slice %arg7[%dma_wait3A_157] : memref<12544xi32, #tpu.memory_space<vmem>> -> memref<3136xi32, #tpu.memory_space<vmem>>
    %dma_wait3A_159 = arith.constant 0 : i32
    %dma_wait3A_160 = tpu.memref_slice %arg12[%dma_wait3A_159] : memref<199680xf32, #tpu.memory_space<vmem_shared>> -> memref<199680xf32, #tpu.memory_space<vmem_shared>>
    tpu.wait_indirect_dma semaphore(%arg15 : memref<!tpu.dma_semaphore, #tpu.memory_space<semaphore_mem>>) src(%dma_wait3A_160 : memref<199680xf32, #tpu.memory_space<vmem_shared>>) dst(%dma_wait3A_156 : memref<3136xf32, #tpu.memory_space<vmem>>)
    %dma_wait3A_161 = arith.constant 9408 : i32
    %dma_wait3A_162 = tpu.memref_slice %arg9[%dma_wait3A_161] : memref<12544xf32, #tpu.memory_space<vmem>> -> memref<3136xf32, #tpu.memory_space<vmem>>
    %dma_wait3A_163 = arith.constant 9408 : i32
    %dma_wait3A_164 = tpu.memref_slice %arg7[%dma_wait3A_163] : memref<12544xi32, #tpu.memory_space<vmem>> -> memref<3136xi32, #tpu.memory_space<vmem>>
    %dma_wait3A_165 = arith.constant 0 : i32
    %dma_wait3A_166 = tpu.memref_slice %arg12[%dma_wait3A_165] : memref<199680xf32, #tpu.memory_space<vmem_shared>> -> memref<199680xf32, #tpu.memory_space<vmem_shared>>
    tpu.wait_indirect_dma semaphore(%arg15 : memref<!tpu.dma_semaphore, #tpu.memory_space<semaphore_mem>>) src(%dma_wait3A_166 : memref<199680xf32, #tpu.memory_space<vmem_shared>>) dst(%dma_wait3A_162 : memref<3136xf32, #tpu.memory_space<vmem>>)
    %scan3A = arith.constant 0 : i32
    %scan3A_167 = arith.constant 0 : i32
    %scan3A_168 = arith.constant 196 : i32
    %scan3A_169 = arith.addi %scan3A_167, %scan3A_168 : i32
    %scan3A_170 = arith.constant 1 : i32
    scf.for %scan3A_172 = %scan3A_167 to %scan3A_169 step %scan3A_170  : i32 {
      %mul3A_173 = arith.constant 16 : i32
      %mul3A_174 = arith.muli %scan3A_172, %mul3A_173 : i32
      %broadcast_in_dim3A = arith.constant 0.000000e+00 : f32
      %broadcast_in_dim3A_175 = vector.broadcast %broadcast_in_dim3A : f32 to vector<16xf32>
      %mul3A_176 = arith.constant 16 : i32
      %mul3A_177 = arith.muli %scan3A_172, %mul3A_176 : i32
      %add3A_178 = arith.constant 0 : i32
      %add3A_179 = arith.addi %add3A_178, %mul3A_177 : i32
      %get3A = arith.index_cast %add3A_179 : i32 to index
      %get3A_180 = tpu.vector_load %arg8[%get3A] {strides = array<i32>} : memref<12544xf32, #tpu.memory_space<vmem>>, vector<16xf32>,
      %get3A_181 = vector.shape_cast %get3A_180 : vector<16xf32> to vector<16xf32>
      %get3A_182 = arith.index_cast %add3A_179 : i32 to index
      %get3A_183 = tpu.vector_load %arg9[%get3A_182] {strides = array<i32>} : memref<12544xf32, #tpu.memory_space<vmem>>, vector<16xf32>,
      %get3A_184 = vector.shape_cast %get3A_183 : vector<16xf32> to vector<16xf32>
      %mul3A_185 = arith.mulf %get3A_181, %get3A_184 : vector<16xf32>
      %add3A_186 = arith.addf %broadcast_in_dim3A_175, %mul3A_185 : vector<16xf32>
      %mul3A_187 = arith.constant 16 : i32
      %mul3A_188 = arith.muli %scan3A_172, %mul3A_187 : i32
      %add3A_189 = arith.constant 3136 : i32
      %add3A_190 = arith.addi %add3A_189, %mul3A_188 : i32
      %get3A_191 = arith.index_cast %add3A_190 : i32 to index
      %get3A_192 = tpu.vector_load %arg8[%get3A_191] {strides = array<i32>} : memref<12544xf32, #tpu.memory_space<vmem>>, vector<16xf32>,
      %get3A_193 = vector.shape_cast %get3A_192 : vector<16xf32> to vector<16xf32>
      %get3A_194 = arith.index_cast %add3A_190 : i32 to index
      %get3A_195 = tpu.vector_load %arg9[%get3A_194] {strides = array<i32>} : memref<12544xf32, #tpu.memory_space<vmem>>, vector<16xf32>,
      %get3A_196 = vector.shape_cast %get3A_195 : vector<16xf32> to vector<16xf32>
      %mul3A_197 = arith.mulf %get3A_193, %get3A_196 : vector<16xf32>
      %add3A_198 = arith.addf %add3A_186, %mul3A_197 : vector<16xf32>
      %mul3A_199 = arith.constant 16 : i32
      %mul3A_200 = arith.muli %scan3A_172, %mul3A_199 : i32
      %add3A_201 = arith.constant 6272 : i32
      %add3A_202 = arith.addi %add3A_201, %mul3A_200 : i32
      %get3A_203 = arith.index_cast %add3A_202 : i32 to index
      %get3A_204 = tpu.vector_load %arg8[%get3A_203] {strides = array<i32>} : memref<12544xf32, #tpu.memory_space<vmem>>, vector<16xf32>,
      %get3A_205 = vector.shape_cast %get3A_204 : vector<16xf32> to vector<16xf32>
      %get3A_206 = arith.index_cast %add3A_202 : i32 to index
      %get3A_207 = tpu.vector_load %arg9[%get3A_206] {strides = array<i32>} : memref<12544xf32, #tpu.memory_space<vmem>>, vector<16xf32>,
      %get3A_208 = vector.shape_cast %get3A_207 : vector<16xf32> to vector<16xf32>
      %mul3A_209 = arith.mulf %get3A_205, %get3A_208 : vector<16xf32>
      %add3A_210 = arith.addf %add3A_198, %mul3A_209 : vector<16xf32>
      %mul3A_211 = arith.constant 16 : i32
      %mul3A_212 = arith.muli %scan3A_172, %mul3A_211 : i32
      %add3A_213 = arith.constant 9408 : i32
      %add3A_214 = arith.addi %add3A_213, %mul3A_212 : i32
      %get3A_215 = arith.index_cast %add3A_214 : i32 to index
      %get3A_216 = tpu.vector_load %arg8[%get3A_215] {strides = array<i32>} : memref<12544xf32, #tpu.memory_space<vmem>>, vector<16xf32>,
      %get3A_217 = vector.shape_cast %get3A_216 : vector<16xf32> to vector<16xf32>
      %get3A_218 = arith.index_cast %add3A_214 : i32 to index
      %get3A_219 = tpu.vector_load %arg9[%get3A_218] {strides = array<i32>} : memref<12544xf32, #tpu.memory_space<vmem>>, vector<16xf32>,
      %get3A_220 = vector.shape_cast %get3A_219 : vector<16xf32> to vector<16xf32>
      %mul3A_221 = arith.mulf %get3A_217, %get3A_220 : vector<16xf32>
      %add3A_222 = arith.addf %add3A_210, %mul3A_221 : vector<16xf32>
      %get3A_223 = arith.index_cast %mul3A_174 : i32 to index
      %get3A_224 = tpu.vector_load %arg10[%get3A_223] {strides = array<i32>} : memref<3136xf32, #tpu.memory_space<vmem>>, vector<16xf32>,
      %get3A_225 = vector.shape_cast %get3A_224 : vector<16xf32> to vector<16xf32>
      %ne3A = arith.constant 0.000000e+00 : f32
      %ne3A_226 = vector.broadcast %ne3A : f32 to vector<16xf32>
      %ne3A_227 = arith.cmpf one, %get3A_225, %ne3A_226 : vector<16xf32>
      %neg3A = arith.constant 0.000000e+00 : f32
      %neg3A_228 = vector.broadcast %neg3A : f32 to vector<16xf32>
      %neg3A_229 = arith.subf %neg3A_228, %add3A_222 : vector<16xf32>
      %div3A = arith.divf %neg3A_229, %get3A_225 : vector<16xf32>
      %jit3A = arith.constant 0.000000e+00 : f32
      %broadcast_in_dim3A_230 = vector.broadcast %jit3A : f32 to vector<16xf32>
      %select_n3A = arith.select %ne3A_227, %div3A, %broadcast_in_dim3A_230 : vector<16xi1>, vector<16xf32>
      %swap3A = arith.index_cast %mul3A_174 : i32 to index
      %swap3A_231 = tpu.vector_load %arg11[%swap3A] {strides = array<i32>} : memref<3136xf32, #tpu.memory_space<vmem>>, vector<16xf32>,
      %swap3A_232 = vector.shape_cast %swap3A_231 : vector<16xf32> to vector<16xf32>
      %swap3A_233 = vector.shape_cast %select_n3A : vector<16xf32> to vector<16xf32>
      tpu.vector_store %arg11[%swap3A], %swap3A_233 {strides = array<i32>} : memref<3136xf32, #tpu.memory_space<vmem>>, vector<16xf32>,
    }
    %scan3A_171 = arith.constant 196 : i32
    "tpu.region"() ({
      %run_scoped3A = tpu.sem_alloc : memref<!tpu.dma_semaphore, #tpu.memory_space<semaphore_mem>>
      %dma_start3A_172 = tpu.memref_slice %arg6[%mul3A_2] : memref<100352xf32, #tpu.memory_space<hbm>> -> memref<3136xf32, #tpu.memory_space<hbm>>
      %dma_start3A_173 = tpu.memref_slice %arg6[%mul3A_2] : memref<100352xf32, #tpu.memory_space<hbm>> -> memref<3136xf32, #tpu.memory_space<hbm>>
      tpu.enqueue_dma source(%arg11 : memref<3136xf32, #tpu.memory_space<vmem>>) target(%dma_start3A_173 : memref<3136xf32, #tpu.memory_space<hbm>>) target_semaphore(%run_scoped3A : memref<!tpu.dma_semaphore, #tpu.memory_space<semaphore_mem>>)
      %dma_wait3A_174 = tpu.memref_slice %arg6[%mul3A_2] : memref<100352xf32, #tpu.memory_space<hbm>> -> memref<3136xf32, #tpu.memory_space<hbm>>
      %dma_wait3A_175 = tpu.memref_slice %arg6[%mul3A_2] : memref<100352xf32, #tpu.memory_space<hbm>> -> memref<3136xf32, #tpu.memory_space<hbm>>
      tpu.wait_dma2 semaphore(%run_scoped3A : memref<!tpu.dma_semaphore, #tpu.memory_space<semaphore_mem>>) src(%arg11 : memref<3136xf32, #tpu.memory_space<vmem>>) dst(%dma_wait3A_175 : memref<3136xf32, #tpu.memory_space<hbm>>)
      tpu.yield
    }) : () -> ()
    return
  }
}

</mosaic_0001>

<sc_bundles>
// kernel: kernel.4.cloned.1.call-start
scs
__scs_entry_jumppad:
0x0: {  	(pc) =	sbr.rel $0x88, $3  }
0x1: {  	(tag) =	ssettag $0x0;
	lr =	simm.s32 $0x1  }
0x2: {  	[smem:$0x3F98] =	sst lr;
	_ =	strace $0xD0000000  }
0x3: {  	_ = 	snop  }
0x4: {  	_ = 	snop  }
0x5: {  	_ = 	snop  }
0x6: {  	_ = 	snop  }
0x7: {  	_ = 	snop  }
__scs_overlays_trampoline_lowered:
0x8: {  	[smem:$0x3FA7] =	sst s0  }
0x9: {  	[smem:$0x3FA8] =	sst s1  }
0xa: {  	[smem:$0x3FA9] =	sst s2  }
0xb: {  	[smem:$0x3FAA] =	sst s3  }
0xc: {  	[smem:$0x3FAB] =	sst s4  }
0xd: {  	[smem:$0x3FAC] =	sst s5  }
0xe: {  	[smem:$0x3FAD] =	sst s6  }
0xf: {  	[smem:$0x3FAE] =	sst s7  }
0x10: {  	[smem:$0x3FAF] =	sst s8  }
0x11: {  	[smem:$0x3FB0] =	sst s9;
	s0 =	simm.s32 @!p0 $0x0  }
0x12: {  	s1 =	sld [smem:$0x3F96];
	s0 =	simm.s32 @p0 $0x1  }
0x13: {  	[smem:$0x3FB1] =	sst s0;
	s0 =	simm.s32 @!p1 $0x0  }
0x14: {  	s2 =	sld [smem:$0x3F95];
	s0 =	simm.s32 @p1 $0x1  }
0x15: {  	[smem:$0x3FB2] =	sst s0;
	s0 =	simm.s32 @!p2 $0x0  }
0x16: {  	s3 =	sld [smem:$0x3FDB];
	s0 =	simm.s32 @p2 $0x1  }
0x17: {  	s4 =	simm.s32 $0x1BF5;
	[smem:$0x3FB4] =	sst s0  }
0x18: {  	s0 =	sld [smem:$0x3F97];
	_ =	swait.ge [sflag:s4], $0x0  }
0x19: {  	s7 =	sld [smem:$0x3F98]  }
0x1a: {  	s8 =	sadd.s32 $0xFFFFE003, lr  }
0x1b: {  	s9 =	sadd.s32 $0xFFFFFEF7, lr;
	s5 =	simm.s32 $0xFFFFFFFF;
	p2 =	slt.u32 s8, $0xFFFFF086  }
0x1c: {  	p1 =	slt.u32 s9, $0xF7A;
	s5 =	simm.s32 @!p2 $0x0  }
0x1d: {  	s5 =	simm.s32 @p1 $0x1;
	p0 =	seq.s32 s7, s2  }
0x1e: {  	s7 =	smul.u32 @!p0 $0xF7A, s2;
	p2 =	seq.s32 @!p0 s5, $0x0  }
0x1f: {  	s9 =	smul.u32 $0xF7A, s1;
	s8 =	simm.s32 @!p0 $0x1BF5;
	p2 =	por !p2, p0  }
0x20: {  	[sflag:s8] =	ssyncset.s32 @!p0 $0xFFFFF086;
	s6 =	sadd.s32 @!p0 s3, s7;
	s7 =	simm.s32 @!p0 $0x108  }
0x21: {  	s3 =	sadd.s32 s3, s9;
	s6 =	sadd.s32 @!p0 $0x88, s6;
	s7 =	simm.s32 @p2 $0x1082  }
0x22: {  	[simem:s7], [sflag:s8] =	dma.local @!p0 [hbm:s6], $0xF7A  }
0x23: {  	s9 =	sor.u32 $0xD0000000, s2;
	s6 =	simm.s32 $0x108;
	_ =	swait.ge @!p0 [sflag:s8], $0x0  }
0x24: {  	s3 =	sadd.s32 $0x88, s3;
	s6 =	simm.s32 @!p1 $0x1082;
	[sflag:s4] =	ssyncset.s32 $0xFFFFF086  }
0x25: {  	[simem:s6], [sflag:s4] =	dma.local [hbm:s3], $0xF7A  }
0x26: {  	[smem:$0x3F98] =	sst s1;
	(tag) =	ssettag s2;
	_ =	strace s9  }
0x27: {  	s1 =	sld [smem:$0x3FA8]  }
0x28: {  	s2 =	sld [smem:$0x3FA9]  }
0x29: {  	s4 =	sld [smem:$0x3FAB]  }
0x2a: {  	p0 =	seq.s32 s5, $0x0;
	s5 =	sld [smem:$0x3FAC]  }
0x2b: {  	s6 =	sld [smem:$0x3FAD]  }
0x2c: {  	s7 =	sld [smem:$0x3FAE]  }
0x2d: {  	s3 =	simm.s32 $0x108;
	s8 =	sld [smem:$0x3FAF]  }
0x2e: {  	s3 =	simm.s32 @!p0 $0x1082;
	s9 =	sld [smem:$0x3FB0]  }
0x2f: {  	lr =	sadd.s32 s0, s3;
	s0 =	sld [smem:$0x3FA7]  }
0x30: {  	s3 =	sld [smem:$0x3FAA]  }
0x31: {  	[smem:$0x3FB3] =	sst s10  }
0x32: {  	s10 =	sld [smem:$0x3FB1];
	_ =	sdelay $0x3  }
0x33: {  	p0 =	seq.s32 s10, $0x1;
	s10 =	sld [smem:$0x3FB3];
	_ =	sdelay $0x3  }
0x34: {  	[smem:$0x3FB3] =	sst s10  }
0x35: {  	s10 =	sld [smem:$0x3FB2];
	_ =	sdelay $0x3  }
0x36: {  	p1 =	seq.s32 s10, $0x1;
	s10 =	sld [smem:$0x3FB3];
	_ =	sdelay $0x3  }
0x37: {  	[smem:$0x3FB3] =	sst s10  }
0x38: {  	s10 =	sld [smem:$0x3FB4]  }
0x39: {  	_ = 	snop;
	(pc) =	sbr.ind lr, $3  }
0x3a: {  	_ = 	snop  }
0x3b: {  	_ = 	snop  }
0x3c: {  	p2 =	seq.s32 s10, $0x1;
	s10 =	sld [smem:$0x3FB3]  }
0x3d: {  	_ =	shalt  }
0x3e: {  	_ =	shalt  }
0x3f: {  	_ =	shalt  }
0x40: {  	_ =	shalt  }
0x41: {  	_ =	shalt  }
0x42: {  	_ =	shalt  }
0x43: {  	_ =	shalt  }
0x44: {  	_ =	shalt  }
0x45: {  	_ =	shalt  }
0x46: {  	_ =	shalt  }
0x47: {  	_ =	shalt  }
0x48: {  	_ =	shalt  }
0x49: {  	_ =	shalt  }
0x4a: {  	_ =	shalt  }
0x4b: {  	_ =	shalt  }
0x4c: {  	_ =	shalt  }
0x4d: {  	_ =	shalt  }
0x4e: {  	_ =	shalt  }
0x4f: {  	_ =	shalt  }
0x50: {  	_ =	shalt  }
0x51: {  	_ =	shalt  }
0x52: {  	_ =	shalt  }
0x53: {  	_ =	shalt  }
0x54: {  	_ =	shalt  }
0x55: {  	_ =	shalt  }
0x56: {  	_ =	shalt  }
0x57: {  	_ =	shalt  }
0x58: {  	_ =	shalt  }
0x59: {  	_ =	shalt  }
0x5a: {  	_ =	shalt  }
0x5b: {  	_ =	shalt  }
0x5c: {  	_ =	shalt  }
0x5d: {  	_ =	shalt  }
0x5e: {  	_ =	shalt  }
0x5f: {  	_ =	shalt  }
0x60: {  	_ =	shalt  }
0x61: {  	_ =	shalt  }
0x62: {  	_ =	shalt  }
0x63: {  	_ =	shalt  }
0x64: {  	_ =	shalt  }
0x65: {  	_ =	shalt  }
0x66: {  	_ =	shalt  }
0x67: {  	_ =	shalt  }
0x68: {  	_ =	shalt  }
0x69: {  	_ =	shalt  }
0x6a: {  	_ =	shalt  }
0x6b: {  	_ =	shalt  }
0x6c: {  	_ =	shalt  }
0x6d: {  	_ =	shalt  }
0x6e: {  	_ =	shalt  }
0x6f: {  	_ =	shalt  }
0x70: {  	_ =	shalt  }
0x71: {  	_ =	shalt  }
0x72: {  	_ =	shalt  }
0x73: {  	_ =	shalt  }
0x74: {  	_ =	shalt  }
0x75: {  	_ =	shalt  }
0x76: {  	_ =	shalt  }
0x77: {  	_ =	shalt  }
0x78: {  	_ =	shalt  }
0x79: {  	_ =	shalt  }
0x7a: {  	_ =	shalt  }
0x7b: {  	_ =	shalt  }
0x7c: {  	_ =	shalt  }
0x7d: {  	_ =	shalt  }
0x7e: {  	_ =	shalt  }
0x7f: {  	_ =	shalt  }
0x80: {  	_ =	shalt  }
0x81: {  	_ =	shalt  }
0x82: {  	_ =	shalt  }
0x83: {  	_ =	shalt  }
0x84: {  	_ =	shalt  }
0x85: {  	_ =	shalt  }
0x86: {  	_ =	shalt  }
0x87: {  	_ =	shalt  }
.Lfunc_end0:
.L_simem_size_0:
called_computation_lowered:
.L_overlay_start_0:
0x88: {  	s2 =	sld [smem:$0x3FD9]  }
0x89: {  	s3 =	sld [smem:$0x3FFE];
	_ =	sdelay $0x1  }
0x8a: {  	s1 =	srdreg.scid  }
0x8b: {  	s0 =	sand.u32 $0x1, s1  }
0x8c: {  	s17 =	sshll.u32 s0, $0xA;
	s2 =	sadd.s32 s3, s2  }
0x8d: {  	s2 =	sadd.s32 s2, s17  }
0x8e: {  	[smem:$0x3FBF] =	sst s2  }
0x8f: {  	_ = 	snop  }
0x90: {  	s2 =	sld [smem:$0x3FC9]  }
0x91: {  	s18 =	sld [smem:$0x3FC7];
	(tm) =	ssettm $0x1  }
0x92: {  	s4 =	sld [smem:$0x3FFB];
	_ =	sdelay $0x3  }
0x93: {  	_ =	strace s4  }
0x94: {  	s4 =	sld [smem:$0x3FFC];
	_ =	sdelay $0x3  }
0x95: {  	_ =	strace s4  }
0x96: {  	s4 =	sld [smem:$0x3FFD];
	_ =	sdelay $0x3  }
0x97: {  	_ =	strace s4  }
0x98: {  	_ =	strace $0x8FFFFFFF  }
0x99: {  	s19 =	sld [smem:$0x3FDB];
	_ =	sdelay $0x1  }
0x9a: {  	s5 =	simm.s32 $_scs_section_size  }
0x9b: {  	s6 =	simm.s32 $_size__tile_overlayer_lowered;
	s7 =	simm.s32 $_tile_overlayer_lowered  }
0x9c: {  	s22 =	simm.s32 $0x1BFF;
	s21 =	sshll.u32 s7, $0x1;
	s4 =	sadd.s32 s5, s19  }
0x9d: {  	s8 =	simm.s32 $0x0;
	s20 =	sshll.u32 s6, $0x1;
	s6 =	sadd.s32 s21, s4  }
0x9e: {  	[timem:s8], [sflag:s22] =	dma.local [hbm:s6], s20  }
0x9f: {  	_ =	swait.ge [sflag:s22], s20  }
0xa0: {  	s5 =	ssub.s32 $0x0, s20;
	[sflag:s22] =	ssyncset.done $0x0  }
0xa1: {  	[sflag:s22] =	ssyncadd.s32 s5;
	_ =	sdelay $0x1  }
0xa2: {  	s23 =	simm.s32 $0x1B8B  }
0xa3: {  	_ =	swait.ge [sflag:s23], $0x1  }
0xa4: {  	[sflag:s23] =	ssyncset.done $0x0  }
0xa5: {  	s25 =	simm.s32 $0x1B8E;
	s24 =	sld [smem:$0x3FFE];
	[sflag:s23] =	ssyncadd.s32 $0xFFFFFFFF  }
0xa6: {  	s26 =	simm.s32 $execute0_lowered;
	[smem:$0x3FD2] =	sst s25  }
0xa7: {  	s6 =	sshll.u32 s26, $0x1;
	_ =	strace $0x80000046;
	[dreg:$0x1] =	wrdreg $0xFFFFFFFF  }
0xa8: {  	s28 =	simm.s32 $_size_execute0_lowered;
	s4 =	sadd.s32 s4, s6;
	[dreg:$0x0] =	wrdreg $0x0  }
0xa9: {  	s6 =	sshll.u32 s28, $0x1;
	[dreg:$0x2] =	wrdreg s4  }
0xaa: {  	[dreg:$0x3] =	wrdreg s6  }
0xab: {  	[dreg:$0x4] =	wrdreg $0xC0  }
0xac: {  	_ =	task [dreg:s8], $0x5FFFF  }
0xad: {  	[dreg:$0x1] =	wrdreg $0xFFFFFFFF  }
0xae: {  	[dreg:$0x0] =	wrdreg $0x60  }
0xaf: {  	[dreg:$0x2] =	wrdreg s2  }
0xb0: {  	[dreg:$0x3] =	wrdreg s24  }
0xb1: {  	[dreg:$0x4] =	wrdreg s18  }
0xb2: {  	[dreg:$0x5] =	wrdreg $0xC4000  }
0xb3: {  	[dreg:$0x6] =	wrdreg $0xDC700  }
0xb4: {  	[dreg:$0x7] =	wrdreg $0x9  }
0xb5: {  	_ =	task.clear_ibuf [dreg:s8], $0x8FFFF;
	_ =	strace $0x90000046  }
0xb6: {  	s29 =	simm.s32 $0x9;
	_ =	strace $0x80000048  }
0xb7: {  	_ =	swait.ge [sflag:s29], $0x1  }
0xb8: {  	[sflag:s29] =	ssyncadd.s32 $0xFFFFFFFF  }
0xb9: {  	_ =	strace $0x90000048  }
0xba: {  	_ =	sfence  }
0xbb: {  	s30 =	sld [smem:$0x0];
	_ =	sdelay $0x2  }
0xbc: {  	s31 =	sshll.u32 s1, $0xD;
	s1 =	sshrl.u32 s1, $0x2  }
0xbd: {  	s3 =	sand.u32 $0x4000, s31;
	s1 =	sadd.s32 s1, s30  }
0xbe: {  	s0 =	sor.u32 s3, s0;
	s1 =	sshll.u32 s1, $0x11  }
0xbf: {  	s0 =	sor.u32 s1, s0  }
0xc0: {  	s0 =	sadd.s32 $0x8F2B, s0  }
0xc1: {  	[sflag:s0] =	ssyncadd.remote.s32 $0x1  }
0xc2: {  	_ =	sfence.sel $0xFFFF  }
0xc3: {  	[dreg:$0x0] =	wrdreg $0xFFFFFFFF;
	(pc) =	sbr.abs _section_cstart, $3  }
0xc4: {  	[dreg:$0x1] =	wrdreg $0xFFFFFFFF  }
0xc5: {  	_ =	task.clear_ibuf [dreg:s8], $0x2FFFF;
	_ =	strace $0x9FFFFFFF  }
0xc6: {  	(tm) =	ssettm $0x7FFFFFFF  }
0xc7: {  	_ =	shalt  }
tec
execute0_lowered:
.L_overlay_start_1:
0x0: {  	(tag) =	ssettag $0x1  }
0x1: {  	s0 =	rddreg [dreg:$0x1];
	s1 =	srdreg.scid  }
0x2: {  	s3 =	stileid.u32;
	s4 =	rddreg [dreg:$0x3]  }
0x3: {  	s5 =	rddreg [dreg:$0x4];
	s6 =	simm.s32 $0x0;
	s16 =	simm.s32 $0x1880  }
0x4: {  	s17 =	simm.s32 $0x3100;
	s19 =	simm.s32 $0x1;
	s20 =	simm.s32 $0xC30  }
0x5: {  	s25 =	simm.s32 $0x24B0;
	s28 =	simm.s32 $0x3D30;
	s29 =	simm.s32 $0x9F30  }
0x6: {  	s30 =	simm.s32 $0x2;
	s31 =	simm.s32 $0xAB80;
	s1 =	sand.u32 $0x1, s1  }
0x7: {  	s2 =	sshll.u32 s3, $0x1;
	[smem:$0x7FF] =	sst s6;
	p0 =	seq.s32 s3, $0x1  }
0x8: {  	s2 =	sor.u32 s1, s2;
	s1 =	ssub.s32 $0x2, s1;
	_ =	strace $0x80000047  }
0x9: {  	p1 =	sne.s32 @!p0 s3, $0x0;
	s14 =	sshrl.u32 @p0 s5, $0x3;
	s2 =	smul.u32 $0x1860, s2  }
0xa: {  	s3 =	simm.s32 $0x3;
	s26 =	sshrl.u32 s1, $0x1;
	p1 =	por p1, p0  }
0xb: {  	s1 =	ssub.s32 s1, s26;
	s15 =	sshrl.u32 @!p1 s4, $0x3;
	s2 =	sshrl.u32 s2, $0x3  }
0xc: {  	s26 =	simm.s32 $0x86B0;
	s13 =	smax.u32 s1, $0x1;
	s0 =	sadd.s32 s2, s0  }
0xd: {  	s1 =	simm.s32 $0x4;
	s2 =	simm.s32 $0x0;
	s7 =	sadd.s32 $0x1400, s0  }
0xe: {  	s8 =	sadd.s32 $0x7600, s0;
	s9 =	sadd.s32 $0xD800, s0;
	s10 =	sadd.s32 $0x13A00, s0  }
0xf: {  	s11 =	sadd.s32 $0x19C00, s0;
	s12 =	sadd.s32 $0x19D86, s0;
	s0 =	simm.s32 $0xB7B0  }
.LBB2_1:
0x10: {  	s18 =	simm.s32 @p0 $0x1C45;
	s21 =	rddreg [dreg:$0x2]  }
0x11: {  	[spmem:s14], [sflag:s18] =	dma.local @p0 [hbm:s21], $0x6160  }
0x12: {  	s18 =	simm.s32 @p0 $0x5  }
0x13: {  	_ =	swait.ge @p0 [sflag:s18], $0x6160  }
0x14: {  	[sflag:s18] =	ssyncset.done @p0 $0x0  }
0x15: {  	[sflag:s18] =	ssyncadd.s32 @p0 $0xFFFF9EA0  }
0x16: {  	s18 =	simm.s32 @!p1 $0x1C05;
	s21 =	rddreg [dreg:$0x0]  }
0x17: {  	[spmem:s15], [sflag:s18] =	dma.local @!p1 [hbm:s21], $0x30E0  }
0x18: {  	s18 =	simm.s32 @!p1 $0x5  }
0x19: {  	_ =	swait.ge @!p1 [sflag:s18], $0x30E0  }
0x1a: {  	[sflag:s18] =	ssyncset.done @!p1 $0x0  }
0x1b: {  	[sflag:s18] =	ssyncadd.s32 @!p1 $0xFFFFCF20  }
0x1c: {  	[tilespmem:s6], [sflag:$0x1] =	stream.linear.gather [hbm4b:s7+s6], $0x1860, $0x38;
	[tilespmem:$0x10D20] =	vst v63  }
0x1d: {  	_ = 	snop  }
0x1e: {  	[tilespmem:s16], [sflag:$0x1] =	stream.linear.gather [hbm4b:s8+s6], $0x1860, $0x38;
	[tilespmem:$0x10D20] =	vst v63  }
0x1f: {  	_ = 	snop  }
0x20: {  	[tilespmem:s17], [sflag:$0x1] =	stream.linear.gather [hbm4b:s9+s6], $0x1860, $0x38;
	[tilespmem:$0x10D20] =	vst v63  }
0x21: {  	s24 =	simm.s32 $0x4980  }
0x22: {  	[tilespmem:s24], [sflag:$0x1] =	stream.linear.gather [hbm4b:s10+s6], $0x1860, $0x38;
	[tilespmem:$0x10D20] =	vst v63  }
0x23: {  	_ =	swait.ge [sflag:s19], $0x1860  }
0x24: {  	[sflag:s19] =	ssyncset.done $0x0  }
0x25: {  	[sflag:s19] =	ssyncadd.s32 $0xFFFFE7A0  }
0x26: {  	_ =	swait.ge [sflag:s19], $0x1860  }
0x27: {  	[sflag:s19] =	ssyncset.done $0x0  }
0x28: {  	[sflag:s19] =	ssyncadd.s32 $0xFFFFE7A0  }
0x29: {  	_ =	swait.ge [sflag:s19], $0x1860  }
0x2a: {  	[sflag:s19] =	ssyncset.done $0x0  }
0x2b: {  	[sflag:s19] =	ssyncadd.s32 $0xFFFFE7A0  }
0x2c: {  	_ =	swait.ge [sflag:s19], $0x1860  }
0x2d: {  	[sflag:s19] =	ssyncset.done $0x0  }
0x2e: {  	[sflag:s19] =	ssyncadd.s32 $0xFFFFE7A0  }
0x2f: {  	s21 =	simm.s32 $0x6200;
	[bflag:$0x0] =	sbarrier.arrive $0xFFFF  }
0x30: {  	[tilespmem:s21], [sflag:$0x2] =	stream.indirect.gather [spmem:s4], $0x1, s6, s20, $0xb8;
	[tilespmem:$0x10D20] =	vst v63  }
0x31: {  	s22 =	simm.s32 $0x7A80  }
0x32: {  	[tilespmem:s22], [sflag:$0x2] =	stream.indirect.gather [spmem:s4], $0x1, s16, s20, $0xb8;
	[tilespmem:$0x10D20] =	vst v63  }
0x33: {  	s23 =	simm.s32 $0x9300  }
0x34: {  	[tilespmem:s23], [sflag:$0x2] =	stream.indirect.gather [spmem:s5], $0x1, s17, s20, $0xb8;
	[tilespmem:$0x10D20] =	vst v63  }
0x35: {  	s24 =	simm.s32 $0x6E30  }
0x36: {  	[tilespmem:s24], [sflag:$0x3] =	stream.indirect.gather [spmem:s4], $0x1, s20, s20, $0xb8;
	[tilespmem:$0x10D20] =	vst v63  }
0x37: {  	_ = 	snop  }
0x38: {  	[tilespmem:s26], [sflag:$0x3] =	stream.indirect.gather [spmem:s4], $0x1, s25, s20, $0xb8;
	[tilespmem:$0x10D20] =	vst v63  }
0x39: {  	_ = 	snop  }
0x3a: {  	[tilespmem:s29], [sflag:$0x3] =	stream.indirect.gather [spmem:s5], $0x1, s28, s20, $0xb8;
	[tilespmem:$0x10D20] =	vst v63  }
0x3b: {  	_ =	swait.ge [sflag:s30], $0xC30  }
0x3c: {  	[sflag:s30] =	ssyncset.done $0x0  }
0x3d: {  	[sflag:s30] =	ssyncadd.s32 $0xFFFFF3D0  }
0x3e: {  	_ =	swait.ge [sflag:s30], $0xC30  }
0x3f: {  	[sflag:s30] =	ssyncset.done $0x0  }
0x40: {  	[sflag:s30] =	ssyncadd.s32 $0xFFFFF3D0  }
0x41: {  	_ =	swait.ge [sflag:s30], $0xC30  }
0x42: {  	[sflag:s30] =	ssyncset.done $0x0  }
0x43: {  	s22 =	simm.s32 $0x0;
	[sflag:s30] =	ssyncadd.s32 $0xFFFFF3D0  }
0x44: {  	v0 =	vld [tilespmem:s22+$0x4980];
	_ =	sdelay $0x4  }
0x45: {  	(erf) = vrcp.f32 v0;
	_ =	sdelay $0x2  }
0x46: {  	s18 =	simm.s32 $0x10  }
0x47: {  	v4 =	vld [tilespmem:s18+$0x4980]  }
0x48: {  	v3 =	vld [tilespmem:s22+$0x7A80]  }
0x49: {  	v0 =	vld [tilespmem:s22+$0x6200];
	_ =	sdelay $0x2  }
0x4a: {  	s21 =	simm.s32 $0x20;
	v1 =	vld [tilespmem:s22+$0x9300];
	v6 =	vpop (erf);
	(erf) = vrcp.f32 v4  }
0x4b: {  	v2 =	vld [tilespmem:s21+$0x4980]  }
0x4c: {  	v5 =	vsub.f32 v0, v3;
	v0 =	vld [tilespmem:s18+$0x6200]  }
0x4d: {  	v3 =	vld [tilespmem:s18+$0x7A80]  }
0x4e: {  	s23 =	simm.s32 $0xC0;
	v4 =	vmul.f32 v6, v5  }
.LBB2_2:
0x4f: {  	p2 =	sne.s32 s23, $0x3080  }
.Ltmp0:
0x50: {  	s24 =	sshra.s32 s23, $0x2;
	s23 =	sadd.s32 $0x40, s23;
	(erf) = vrcp.f32 v2;
	v6 =	vmul.f32 v4, v1;
	v1 =	vld [tilespmem:s18+$0x9300];
	(pc) =	sbr.rel @p2 .LBB2_2-.Ltmp0, $4  }
0x51: {  	v2 =	vld [tilespmem:s24+$0x4980]  }
0x52: {  	v5 =	vsub.f32 v0, v3;
	v0 =	vld [tilespmem:s21+$0x6200];
	[tilespmem:s22+$0xAB80] =	vst v6;
	s22 =	smov.u32 s18;
	s18 =	smov.u32 s21;
	s21 =	smov.u32 s24  }
0x53: {  	v3 =	vld [tilespmem:s18+$0x7A80];
	v4 =	vpop (erf)  }
0x54: {  	v4 =	vmul.f32 v4, v5  }
0x55: {  	_ = 	snop  }
0x56: {  	(erf) = vrcp.f32 v2;
	v1 =	vmul.f32 v4, v1  }
0x57: {  	v2 =	vld [tilespmem:s18+$0x9300]  }
0x58: {  	v4 =	vld [tilespmem:s21+$0x6200];
	[tilespmem:s22+$0xAB80] =	vst v1  }
0x59: {  	v1 =	vld [tilespmem:s21+$0x7A80];
	_ =	sdelay $0x3  }
0x5a: {  	v0 =	vsub.f32 v0, v3;
	v3 =	vld [tilespmem:s21+$0x9300]  }
0x5b: {  	v5 =	vpop (erf);
	v1 =	vsub.f32 v4, v1  }
0x5c: {  	v0 =	vmul.f32 v5, v0;
	v4 =	vpop (erf)  }
0x5d: {  	v1 =	vmul.f32 v4, v1  }
0x5e: {  	v0 =	vmul.f32 v0, v2  }
0x5f: {  	v1 =	vmul.f32 v1, v3  }
0x60: {  	[tilespmem:s18+$0xAB80] =	vst v0  }
0x61: {  	s24 =	simm.s32 $0x0;
	[tilespmem:s21+$0xAB80] =	vst v1  }
0x62: {  	[hbm4b:s11+s24] =	stream.linear.scatter [tilespmem:s31], [sflag:$0x4], $0xC30, $0x38;
	[tilespmem:$0x10D20] =	vst v63  }
0x63: {  	_ =	swait.ge [sflag:s3], $0xC30  }
0x64: {  	[sflag:s3] =	ssyncset.done $0x0  }
0x65: {  	[sflag:s3] =	ssyncadd.s32 $0xFFFFF3D0  }
0x66: {  	_ =	swait.ge [sflag:s3], $0xC30  }
0x67: {  	[sflag:s3] =	ssyncset.done $0x0  }
0x68: {  	[sflag:s3] =	ssyncadd.s32 $0xFFFFF3D0  }
0x69: {  	_ =	swait.ge [sflag:s3], $0xC30  }
0x6a: {  	[sflag:s3] =	ssyncset.done $0x0  }
0x6b: {  	s22 =	simm.s32 $0x0;
	[sflag:s3] =	ssyncadd.s32 $0xFFFFF3D0  }
0x6c: {  	v0 =	vld [tilespmem:s22+$0x55B0];
	_ =	sdelay $0x4  }
0x6d: {  	(erf) = vrcp.f32 v0;
	_ =	sdelay $0x2  }
0x6e: {  	s18 =	simm.s32 $0x10  }
0x6f: {  	v4 =	vld [tilespmem:s18+$0x55B0]  }
0x70: {  	v3 =	vld [tilespmem:s22+$0x86B0]  }
0x71: {  	v0 =	vld [tilespmem:s22+$0x6E30];
	_ =	sdelay $0x2  }
0x72: {  	s21 =	simm.s32 $0x20;
	v1 =	vld [tilespmem:s22+$0x9F30];
	v6 =	vpop (erf);
	(erf) = vrcp.f32 v4  }
0x73: {  	v2 =	vld [tilespmem:s21+$0x55B0]  }
0x74: {  	v5 =	vsub.f32 v0, v3;
	v0 =	vld [tilespmem:s18+$0x6E30]  }
0x75: {  	v3 =	vld [tilespmem:s18+$0x86B0]  }
0x76: {  	s23 =	simm.s32 $0xC0;
	v4 =	vmul.f32 v6, v5  }
.LBB2_4:
0x77: {  	p2 =	sne.s32 s23, $0x3080  }
.Ltmp1:
0x78: {  	s24 =	sshra.s32 s23, $0x2;
	s23 =	sadd.s32 $0x40, s23;
	(erf) = vrcp.f32 v2;
	v6 =	vmul.f32 v4, v1;
	v1 =	vld [tilespmem:s18+$0x9F30];
	(pc) =	sbr.rel @p2 .LBB2_4-.Ltmp1, $4  }
0x79: {  	v2 =	vld [tilespmem:s24+$0x55B0]  }
0x7a: {  	v5 =	vsub.f32 v0, v3;
	v0 =	vld [tilespmem:s21+$0x6E30];
	[tilespmem:s22+$0xB7B0] =	vst v6;
	s22 =	smov.u32 s18;
	s18 =	smov.u32 s21;
	s21 =	smov.u32 s24  }
0x7b: {  	v3 =	vld [tilespmem:s18+$0x86B0];
	v4 =	vpop (erf)  }
0x7c: {  	v4 =	vmul.f32 v4, v5  }
0x7d: {  	_ = 	snop  }
0x7e: {  	(erf) = vrcp.f32 v2;
	v1 =	vmul.f32 v4, v1  }
0x7f: {  	v59 =	vld [tilespmem:s18+$0x9F30]  }
0x80: {  	v60 =	vld [tilespmem:s21+$0x6E30];
	[tilespmem:s22+$0xB7B0] =	vst v1  }
0x81: {  	v1 =	vld [tilespmem:s21+$0x86B0];
	_ =	sdelay $0x3  }
0x82: {  	v0 =	vsub.f32 v0, v3;
	v61 =	vld [tilespmem:s21+$0x9F30]  }
0x83: {  	v62 =	vpop (erf);
	v1 =	vsub.f32 v60, v1  }
0x84: {  	v0 =	vmul.f32 v62, v0;
	v63 =	vpop (erf)  }
0x85: {  	v1 =	vmul.f32 v63, v1  }
0x86: {  	v0 =	vmul.f32 v0, v59  }
0x87: {  	v1 =	vmul.f32 v1, v61  }
0x88: {  	[tilespmem:s18+$0xB7B0] =	vst v0  }
0x89: {  	s2 =	sadd.s32 $0x1, s2;
	[tilespmem:s21+$0xB7B0] =	vst v1  }
0x8a: {  	[hbm4b:s12+s6] =	stream.linear.scatter [tilespmem:s0], [sflag:$0x4], $0xC30, $0x38;
	[tilespmem:$0x10D20] =	vst v63  }
0x8b: {  	p2 =	sne.s32 s2, s13;
	_ =	swait.ge [sflag:s1], $0xC30  }
.Ltmp2:
0x8c: {  	[sflag:s1] =	ssyncset.done $0x0;
	(pc) =	sbr.rel @p2 .LBB2_1-.Ltmp2, $4  }
0x8d: {  	[sflag:s1] =	ssyncadd.s32 $0xFFFFF3D0  }
0x8e: {  	_ =	swait.ge [sflag:s1], $0xC30  }
0x8f: {  	[sflag:s1] =	ssyncset.done $0x0  }
0x90: {  	[sflag:s1] =	ssyncadd.s32 $0xFFFFF3D0  }
0x91: {  	_ =	sfence.sel $0x180000  }
0x92: {  	[bflag:$0x0] =	sbarrier.arrive $0xFFFF  }
0x93: {  	_ =	strace $0x90000047  }
0x94: {  	s0 =	stileid.u32;
	[bflag:$0x2] =	sbarrier.arrive $0xFFFF  }
0x95: {  	p0 =	sne.s32 s0, $0x0;
	s0 =	rddreg [dreg:$0x5]  }
0x96: {  	s0 =	sadd.s32 @!p0 $0x100000, s0  }
0x97: {  	[sflag:s0] =	ssyncadd.tile.s32 @!p0 $0x1;
	_ =	shalt  }
.Lfunc_end2:
_tile_overlayer_lowered:
.L_overlay_start_2:
0x98: {  	(tag) =	ssettag $0x2  }
0x99: {  	s0 =	rddreg [dreg:$0x0];
	s2 =	stileid.u32  }
0x9a: {  	s1 =	rddreg [dreg:$0x1];
	p0 =	sne.s32 s2, $0x0  }
0x9b: {  	s3 =	rddreg [dreg:$0x2];
	[bflag:$0x3] =	sbarrier.arrive $0xFFFF;
	s2 =	simm.s32 @!p0 $0x1C05  }
0x9c: {  	[timem:s3], [sflag:s2] =	dma.local @!p0 [hbm:s0], s1  }
0x9d: {  	s0 =	simm.s32 @!p0 $0x5  }
0x9e: {  	_ =	swait.ge @!p0 [sflag:s0], s1  }
0x9f: {  	s1 =	ssub.s32 @!p0 $0x0, s1;
	[sflag:s0] =	ssyncset.done @!p0 $0x0  }
0xa0: {  	[sflag:s0] =	ssyncadd.s32 @!p0 s1  }
0xa1: {  	[bflag:$0x3] =	sbarrier.arrive $0xFFFF  }
0xa2: {  	_ =	shalt  }

// kernel: kernel.7.cloned.1.call-start
scs
__scs_entry_jumppad:
0x0: {  	(pc) =	sbr.rel $0x88, $3  }
0x1: {  	(tag) =	ssettag $0x0;
	lr =	simm.s32 $0x1  }
0x2: {  	[smem:$0x3F98] =	sst lr;
	_ =	strace $0xD0000000  }
0x3: {  	_ = 	snop  }
0x4: {  	_ = 	snop  }
0x5: {  	_ = 	snop  }
0x6: {  	_ = 	snop  }
0x7: {  	_ = 	snop  }
__scs_overlays_trampoline_lowered:
0x8: {  	[smem:$0x3FA7] =	sst s0  }
0x9: {  	[smem:$0x3FA8] =	sst s1  }
0xa: {  	[smem:$0x3FA9] =	sst s2  }
0xb: {  	[smem:$0x3FAA] =	sst s3  }
0xc: {  	[smem:$0x3FAB] =	sst s4  }
0xd: {  	[smem:$0x3FAC] =	sst s5  }
0xe: {  	[smem:$0x3FAD] =	sst s6  }
0xf: {  	[smem:$0x3FAE] =	sst s7  }
0x10: {  	[smem:$0x3FAF] =	sst s8  }
0x11: {  	[smem:$0x3FB0] =	sst s9;
	s0 =	simm.s32 @!p0 $0x0  }
0x12: {  	s1 =	sld [smem:$0x3F96];
	s0 =	simm.s32 @p0 $0x1  }
0x13: {  	[smem:$0x3FB1] =	sst s0;
	s0 =	simm.s32 @!p1 $0x0  }
0x14: {  	s2 =	sld [smem:$0x3F95];
	s0 =	simm.s32 @p1 $0x1  }
0x15: {  	[smem:$0x3FB2] =	sst s0;
	s0 =	simm.s32 @!p2 $0x0  }
0x16: {  	s3 =	sld [smem:$0x3FDB];
	s0 =	simm.s32 @p2 $0x1  }
0x17: {  	s4 =	simm.s32 $0x1BF5;
	[smem:$0x3FB4] =	sst s0  }
0x18: {  	s0 =	sld [smem:$0x3F97];
	_ =	swait.ge [sflag:s4], $0x0  }
0x19: {  	s7 =	sld [smem:$0x3F98]  }
0x1a: {  	s8 =	sadd.s32 $0xFFFFE003, lr  }
0x1b: {  	s9 =	sadd.s32 $0xFFFFFEF7, lr;
	s5 =	simm.s32 $0xFFFFFFFF;
	p2 =	slt.u32 s8, $0xFFFFF086  }
0x1c: {  	p1 =	slt.u32 s9, $0xF7A;
	s5 =	simm.s32 @!p2 $0x0  }
0x1d: {  	s5 =	simm.s32 @p1 $0x1;
	p0 =	seq.s32 s7, s2  }
0x1e: {  	s7 =	smul.u32 @!p0 $0xF7A, s2;
	p2 =	seq.s32 @!p0 s5, $0x0  }
0x1f: {  	s9 =	smul.u32 $0xF7A, s1;
	s8 =	simm.s32 @!p0 $0x1BF5;
	p2 =	por !p2, p0  }
0x20: {  	[sflag:s8] =	ssyncset.s32 @!p0 $0xFFFFF086;
	s6 =	sadd.s32 @!p0 s3, s7;
	s7 =	simm.s32 @!p0 $0x108  }
0x21: {  	s3 =	sadd.s32 s3, s9;
	s6 =	sadd.s32 @!p0 $0x88, s6;
	s7 =	simm.s32 @p2 $0x1082  }
0x22: {  	[simem:s7], [sflag:s8] =	dma.local @!p0 [hbm:s6], $0xF7A  }
0x23: {  	s9 =	sor.u32 $0xD0000000, s2;
	s6 =	simm.s32 $0x108;
	_ =	swait.ge @!p0 [sflag:s8], $0x0  }
0x24: {  	s3 =	sadd.s32 $0x88, s3;
	s6 =	simm.s32 @!p1 $0x1082;
	[sflag:s4] =	ssyncset.s32 $0xFFFFF086  }
0x25: {  	[simem:s6], [sflag:s4] =	dma.local [hbm:s3], $0xF7A  }
0x26: {  	[smem:$0x3F98] =	sst s1;
	(tag) =	ssettag s2;
	_ =	strace s9  }
0x27: {  	s1 =	sld [smem:$0x3FA8]  }
0x28: {  	s2 =	sld [smem:$0x3FA9]  }
0x29: {  	s4 =	sld [smem:$0x3FAB]  }
0x2a: {  	p0 =	seq.s32 s5, $0x0;
	s5 =	sld [smem:$0x3FAC]  }
0x2b: {  	s6 =	sld [smem:$0x3FAD]  }
0x2c: {  	s7 =	sld [smem:$0x3FAE]  }
0x2d: {  	s3 =	simm.s32 $0x108;
	s8 =	sld [smem:$0x3FAF]  }
0x2e: {  	s3 =	simm.s32 @!p0 $0x1082;
	s9 =	sld [smem:$0x3FB0]  }
0x2f: {  	lr =	sadd.s32 s0, s3;
	s0 =	sld [smem:$0x3FA7]  }
0x30: {  	s3 =	sld [smem:$0x3FAA]  }
0x31: {  	[smem:$0x3FB3] =	sst s10  }
0x32: {  	s10 =	sld [smem:$0x3FB1];
	_ =	sdelay $0x3  }
0x33: {  	p0 =	seq.s32 s10, $0x1;
	s10 =	sld [smem:$0x3FB3];
	_ =	sdelay $0x3  }
0x34: {  	[smem:$0x3FB3] =	sst s10  }
0x35: {  	s10 =	sld [smem:$0x3FB2];
	_ =	sdelay $0x3  }
0x36: {  	p1 =	seq.s32 s10, $0x1;
	s10 =	sld [smem:$0x3FB3];
	_ =	sdelay $0x3  }
0x37: {  	[smem:$0x3FB3] =	sst s10  }
0x38: {  	s10 =	sld [smem:$0x3FB4]  }
0x39: {  	_ = 	snop;
	(pc) =	sbr.ind lr, $3  }
0x3a: {  	_ = 	snop  }
0x3b: {  	_ = 	snop  }
0x3c: {  	p2 =	seq.s32 s10, $0x1;
	s10 =	sld [smem:$0x3FB3]  }
0x3d: {  	_ =	shalt  }
0x3e: {  	_ =	shalt  }
0x3f: {  	_ =	shalt  }
0x40: {  	_ =	shalt  }
0x41: {  	_ =	shalt  }
0x42: {  	_ =	shalt  }
0x43: {  	_ =	shalt  }
0x44: {  	_ =	shalt  }
0x45: {  	_ =	shalt  }
0x46: {  	_ =	shalt  }
0x47: {  	_ =	shalt  }
0x48: {  	_ =	shalt  }
0x49: {  	_ =	shalt  }
0x4a: {  	_ =	shalt  }
0x4b: {  	_ =	shalt  }
0x4c: {  	_ =	shalt  }
0x4d: {  	_ =	shalt  }
0x4e: {  	_ =	shalt  }
0x4f: {  	_ =	shalt  }
0x50: {  	_ =	shalt  }
0x51: {  	_ =	shalt  }
0x52: {  	_ =	shalt  }
0x53: {  	_ =	shalt  }
0x54: {  	_ =	shalt  }
0x55: {  	_ =	shalt  }
0x56: {  	_ =	shalt  }
0x57: {  	_ =	shalt  }
0x58: {  	_ =	shalt  }
0x59: {  	_ =	shalt  }
0x5a: {  	_ =	shalt  }
0x5b: {  	_ =	shalt  }
0x5c: {  	_ =	shalt  }
0x5d: {  	_ =	shalt  }
0x5e: {  	_ =	shalt  }
0x5f: {  	_ =	shalt  }
0x60: {  	_ =	shalt  }
0x61: {  	_ =	shalt  }
0x62: {  	_ =	shalt  }
0x63: {  	_ =	shalt  }
0x64: {  	_ =	shalt  }
0x65: {  	_ =	shalt  }
0x66: {  	_ =	shalt  }
0x67: {  	_ =	shalt  }
0x68: {  	_ =	shalt  }
0x69: {  	_ =	shalt  }
0x6a: {  	_ =	shalt  }
0x6b: {  	_ =	shalt  }
0x6c: {  	_ =	shalt  }
0x6d: {  	_ =	shalt  }
0x6e: {  	_ =	shalt  }
0x6f: {  	_ =	shalt  }
0x70: {  	_ =	shalt  }
0x71: {  	_ =	shalt  }
0x72: {  	_ =	shalt  }
0x73: {  	_ =	shalt  }
0x74: {  	_ =	shalt  }
0x75: {  	_ =	shalt  }
0x76: {  	_ =	shalt  }
0x77: {  	_ =	shalt  }
0x78: {  	_ =	shalt  }
0x79: {  	_ =	shalt  }
0x7a: {  	_ =	shalt  }
0x7b: {  	_ =	shalt  }
0x7c: {  	_ =	shalt  }
0x7d: {  	_ =	shalt  }
0x7e: {  	_ =	shalt  }
0x7f: {  	_ =	shalt  }
0x80: {  	_ =	shalt  }
0x81: {  	_ =	shalt  }
0x82: {  	_ =	shalt  }
0x83: {  	_ =	shalt  }
0x84: {  	_ =	shalt  }
0x85: {  	_ =	shalt  }
0x86: {  	_ =	shalt  }
0x87: {  	_ =	shalt  }
.Lfunc_end0:
.L_simem_size_0:
called_computation.1_lowered:
.L_overlay_start_0:
0x88: {  	s2 =	sld [smem:$0x3FD9]  }
0x89: {  	s3 =	sld [smem:$0x3FFE];
	_ =	sdelay $0x1  }
0x8a: {  	s1 =	srdreg.scid  }
0x8b: {  	s0 =	sand.u32 $0x1, s1  }
0x8c: {  	s17 =	sshll.u32 s0, $0xA;
	s2 =	sadd.s32 s3, s2  }
0x8d: {  	s2 =	sadd.s32 s2, s17  }
0x8e: {  	[smem:$0x3FBF] =	sst s2  }
0x8f: {  	_ = 	snop  }
0x90: {  	s2 =	sld [smem:$0x3FD0];
	(tm) =	ssettm $0x1  }
0x91: {  	s18 =	sld [smem:$0x3FFB];
	_ =	sdelay $0x3  }
0x92: {  	_ =	strace s18  }
0x93: {  	s3 =	sld [smem:$0x3FFC];
	_ =	sdelay $0x3  }
0x94: {  	_ =	strace s3  }
0x95: {  	s3 =	sld [smem:$0x3FFD];
	_ =	sdelay $0x3  }
0x96: {  	_ =	strace s3  }
0x97: {  	_ =	strace $0x8FFFFFFF  }
0x98: {  	s19 =	sld [smem:$0x3FDB];
	_ =	sdelay $0x1  }
0x99: {  	s4 =	simm.s32 $_scs_section_size  }
0x9a: {  	s5 =	simm.s32 $_size__tile_overlayer_lowered;
	s6 =	simm.s32 $_tile_overlayer_lowered  }
0x9b: {  	s22 =	simm.s32 $0x1BFF;
	s21 =	sshll.u32 s6, $0x1;
	s3 =	sadd.s32 s4, s19  }
0x9c: {  	s7 =	simm.s32 $0x0;
	s20 =	sshll.u32 s5, $0x1;
	s5 =	sadd.s32 s21, s3  }
0x9d: {  	[timem:s7], [sflag:s22] =	dma.local [hbm:s5], s20  }
0x9e: {  	_ =	swait.ge [sflag:s22], s20  }
0x9f: {  	s4 =	ssub.s32 $0x0, s20;
	[sflag:s22] =	ssyncset.done $0x0  }
0xa0: {  	[sflag:s22] =	ssyncadd.s32 s4;
	_ =	sdelay $0x1  }
0xa1: {  	s23 =	simm.s32 $0x1B8B  }
0xa2: {  	_ =	swait.ge [sflag:s23], $0x1  }
0xa3: {  	[sflag:s23] =	ssyncset.done $0x0  }
0xa4: {  	s25 =	simm.s32 $0x1B8E;
	s24 =	sld [smem:$0x3FFE];
	[sflag:s23] =	ssyncadd.s32 $0xFFFFFFFF  }
0xa5: {  	s26 =	simm.s32 $execute0_lowered;
	[smem:$0x3FD2] =	sst s25  }
0xa6: {  	s5 =	sshll.u32 s26, $0x1;
	_ =	strace $0x80000049;
	[dreg:$0x1] =	wrdreg $0xFFFFFFFF  }
0xa7: {  	s28 =	simm.s32 $_size_execute0_lowered;
	s3 =	sadd.s32 s3, s5;
	[dreg:$0x0] =	wrdreg $0x0  }
0xa8: {  	s5 =	sshll.u32 s28, $0x1;
	[dreg:$0x2] =	wrdreg s3  }
0xa9: {  	[dreg:$0x3] =	wrdreg s5  }
0xaa: {  	[dreg:$0x4] =	wrdreg $0xC0  }
0xab: {  	_ =	task [dreg:s7], $0x5FFFF  }
0xac: {  	[dreg:$0x1] =	wrdreg $0xFFFFFFFF  }
0xad: {  	[dreg:$0x0] =	wrdreg $0x60  }
0xae: {  	[dreg:$0x2] =	wrdreg s24  }
0xaf: {  	[dreg:$0x3] =	wrdreg s2  }
0xb0: {  	[dreg:$0x4] =	wrdreg $0xAC000  }
0xb1: {  	[dreg:$0x5] =	wrdreg $0x9  }
0xb2: {  	_ =	task.clear_ibuf [dreg:s7], $0x6FFFF;
	_ =	strace $0x90000049  }
0xb3: {  	s29 =	simm.s32 $0x9;
	_ =	strace $0x8000004B  }
0xb4: {  	_ =	swait.ge [sflag:s29], $0x1  }
0xb5: {  	[sflag:s29] =	ssyncadd.s32 $0xFFFFFFFF  }
0xb6: {  	_ =	strace $0x9000004B  }
0xb7: {  	_ =	sfence  }
0xb8: {  	s30 =	sld [smem:$0x0];
	_ =	sdelay $0x2  }
0xb9: {  	s31 =	sshll.u32 s1, $0xD;
	s1 =	sshrl.u32 s1, $0x2  }
0xba: {  	s3 =	sand.u32 $0x4000, s31;
	s1 =	sadd.s32 s1, s30  }
0xbb: {  	s0 =	sor.u32 s3, s0;
	s1 =	sshll.u32 s1, $0x11  }
0xbc: {  	s0 =	sor.u32 s1, s0  }
0xbd: {  	s0 =	sadd.s32 $0x8F2B, s0  }
0xbe: {  	[sflag:s0] =	ssyncadd.remote.s32 $0x1  }
0xbf: {  	_ =	sfence.sel $0xFFFF  }
0xc0: {  	[dreg:$0x0] =	wrdreg $0xFFFFFFFF;
	(pc) =	sbr.abs _section_cstart, $3  }
0xc1: {  	[dreg:$0x1] =	wrdreg $0xFFFFFFFF  }
0xc2: {  	_ =	task.clear_ibuf [dreg:s7], $0x2FFFF;
	_ =	strace $0x9FFFFFFF  }
0xc3: {  	(tm) =	ssettm $0x7FFFFFFF  }
tec
execute0_lowered:
.L_overlay_start_1:
0x0: {  	(tag) =	ssettag $0x1  }
0x1: {  	s0 =	rddreg [dreg:$0x0]  }
0x2: {  	s13 =	rddreg [dreg:$0x1]  }
0x3: {  	s1 =	rddreg [dreg:$0x2]  }
0x4: {  	s3 =	srdreg.scid;
	s14 =	stileid.u32;
	s2 =	simm.s32 $0x0  }
0x5: {  	s17 =	simm.s32 $0x1880;
	s18 =	simm.s32 $0x24C0;
	s22 =	simm.s32 $0x1  }
0x6: {  	s28 =	simm.s32 $0x3;
	s29 =	simm.s32 $0x9F80;
	s30 =	simm.s32 $0x4  }
0x7: {  	s31 =	simm.s32 $0x0;
	s4 =	sand.u32 $0x1, s3;
	s25 =	sshll.u32 s14, $0x1  }
0x8: {  	[smem:$0x7FF] =	sst s2;
	s7 =	sadd.s32 $0x23000, s0;
	s11 =	sadd.s32 $0x2F400, s0  }
0x9: {  	p0 =	sne.s32 s14, $0x0;
	s3 =	sor.u32 s4, s25;
	s4 =	ssub.s32 $0x2, s4  }
0xa: {  	_ =	strace $0x8000004A;
	s5 =	smul.u32 $0xC40, s3;
	s26 =	sshrl.u32 s4, $0x1  }
0xb: {  	s3 =	sadd.s32 $0x19C00, s0;
	s16 =	ssub.s32 s4, s26;
	s26 =	simm.s32 $0x2  }
0xc: {  	s15 =	sshrl.u32 s5, $0x3;
	s14 =	smax.u32 s16, $0x1;
	s16 =	simm.s32 $0xC40  }
0xd: {  	s0 =	sadd.s32 s15, s0;
	s4 =	sadd.s32 s7, s15;
	s9 =	sadd.s32 $0x3100, s15  }
0xe: {  	s10 =	sadd.s32 $0x6200, s15;
	s12 =	sadd.s32 $0x9300, s15;
	s8 =	sadd.s32 s11, s15  }
0xf: {  	s13 =	sadd.s32 s13, s15;
	s15 =	sshrl.u32 @!p0 s1, $0x3;
	s5 =	sadd.s32 s7, s9  }
0x10: {  	s6 =	sadd.s32 s7, s10;
	s7 =	sadd.s32 s7, s12;
	s9 =	sadd.s32 s11, s9  }
0x11: {  	s10 =	sadd.s32 s11, s10;
	s11 =	sadd.s32 s11, s12;
	s12 =	sadd.s32 $0x1FE00, s0  }
.LBB2_1:
0x12: {  	s0 =	simm.s32 @!p0 $0x1C04  }
0x13: {  	[spmem:s15], [sflag:s0] =	dma.local @!p0 [hbm:s3], $0x6180  }
0x14: {  	s0 =	simm.s32 @!p0 $0x4  }
0x15: {  	_ =	swait.ge @!p0 [sflag:s0], $0x6180  }
0x16: {  	[sflag:s0] =	ssyncset.done @!p0 $0x0  }
0x17: {  	[sflag:s0] =	ssyncadd.s32 @!p0 $0xFFFF9E80  }
0x18: {  	[tilespmem:s2], [sflag:$0x1] =	stream.linear.gather [hbm4b:s4+s2], $0xC40, $0x38;
	[tilespmem:$0xDCC0] =	vst v63  }
0x19: {  	_ = 	snop  }
0x1a: {  	[tilespmem:s16], [sflag:$0x1] =	stream.linear.gather [hbm4b:s5+s2], $0xC40, $0x38;
	[tilespmem:$0xDCC0] =	vst v63  }
0x1b: {  	_ = 	snop  }
0x1c: {  	[tilespmem:s17], [sflag:$0x1] =	stream.linear.gather [hbm4b:s6+s2], $0xC40, $0x38;
	[tilespmem:$0xDCC0] =	vst v63  }
0x1d: {  	_ = 	snop  }
0x1e: {  	[tilespmem:s18], [sflag:$0x1] =	stream.linear.gather [hbm4b:s7+s2], $0xC40, $0x38;
	[tilespmem:$0xDCC0] =	vst v63  }
0x1f: {  	s0 =	simm.s32 $0x3100  }
0x20: {  	[tilespmem:s0], [sflag:$0x2] =	stream.linear.gather [hbm4b:s8+s2], $0xC40, $0x38;
	[tilespmem:$0xDCC0] =	vst v63  }
0x21: {  	s19 =	simm.s32 $0x3D40  }
0x22: {  	[tilespmem:s19], [sflag:$0x2] =	stream.linear.gather [hbm4b:s9+s2], $0xC40, $0x38;
	[tilespmem:$0xDCC0] =	vst v63  }
0x23: {  	s23 =	simm.s32 $0x4980  }
0x24: {  	[tilespmem:s23], [sflag:$0x2] =	stream.linear.gather [hbm4b:s10+s2], $0xC40, $0x38;
	[tilespmem:$0xDCC0] =	vst v63  }
0x25: {  	s24 =	simm.s32 $0x55C0  }
0x26: {  	[tilespmem:s24], [sflag:$0x2] =	stream.linear.gather [hbm4b:s11+s2], $0xC40, $0x38;
	[tilespmem:$0xDCC0] =	vst v63  }
0x27: {  	s25 =	simm.s32 $0x9300  }
0x28: {  	[tilespmem:s25], [sflag:$0x2] =	stream.linear.gather [hbm4b:s12+s2], $0xC40, $0x38;
	[tilespmem:$0xDCC0] =	vst v63  }
0x29: {  	_ =	swait.ge [sflag:s22], $0xC40  }
0x2a: {  	[sflag:s22] =	ssyncset.done $0x0  }
0x2b: {  	[sflag:s22] =	ssyncadd.s32 $0xFFFFF3C0  }
0x2c: {  	_ =	swait.ge [sflag:s22], $0xC40  }
0x2d: {  	[sflag:s22] =	ssyncset.done $0x0  }
0x2e: {  	[sflag:s22] =	ssyncadd.s32 $0xFFFFF3C0  }
0x2f: {  	_ =	swait.ge [sflag:s22], $0xC40  }
0x30: {  	[sflag:s22] =	ssyncset.done $0x0  }
0x31: {  	[sflag:s22] =	ssyncadd.s32 $0xFFFFF3C0  }
0x32: {  	_ =	swait.ge [sflag:s22], $0xC40  }
0x33: {  	[sflag:s22] =	ssyncset.done $0x0  }
0x34: {  	[sflag:s22] =	ssyncadd.s32 $0xFFFFF3C0  }
0x35: {  	s20 =	simm.s32 $0x6200;
	[bflag:$0x0] =	sbarrier.arrive $0xFFFF  }
0x36: {  	[tilespmem:s20], [sflag:$0x3] =	stream.indirect.gather [spmem:s1], $0x1, s2, s16, $0xb8;
	[tilespmem:$0xDCC0] =	vst v63  }
0x37: {  	s23 =	simm.s32 $0x6E40  }
0x38: {  	[tilespmem:s23], [sflag:$0x3] =	stream.indirect.gather [spmem:s1], $0x1, s16, s16, $0xb8;
	[tilespmem:$0xDCC0] =	vst v63  }
0x39: {  	s21 =	simm.s32 $0x7A80  }
0x3a: {  	[tilespmem:s21], [sflag:$0x3] =	stream.indirect.gather [spmem:s1], $0x1, s17, s16, $0xb8;
	[tilespmem:$0xDCC0] =	vst v63  }
0x3b: {  	s24 =	simm.s32 $0x86C0  }
0x3c: {  	[tilespmem:s24], [sflag:$0x3] =	stream.indirect.gather [spmem:s1], $0x1, s18, s16, $0xb8;
	[tilespmem:$0xDCC0] =	vst v63  }
0x3d: {  	_ =	swait.ge [sflag:s26], $0xC40  }
0x3e: {  	[sflag:s26] =	ssyncset.done $0x0  }
0x3f: {  	[sflag:s26] =	ssyncadd.s32 $0xFFFFF3C0  }
0x40: {  	_ =	swait.ge [sflag:s26], $0xC40  }
0x41: {  	[sflag:s26] =	ssyncset.done $0x0  }
0x42: {  	[sflag:s26] =	ssyncadd.s32 $0xFFFFF3C0  }
0x43: {  	_ =	swait.ge [sflag:s26], $0xC40  }
0x44: {  	[sflag:s26] =	ssyncset.done $0x0  }
0x45: {  	[sflag:s26] =	ssyncadd.s32 $0xFFFFF3C0  }
0x46: {  	_ =	swait.ge [sflag:s26], $0xC40  }
0x47: {  	[sflag:s26] =	ssyncset.done $0x0  }
0x48: {  	[sflag:s26] =	ssyncadd.s32 $0xFFFFF3C0  }
0x49: {  	_ =	swait.ge [sflag:s26], $0xC40  }
0x4a: {  	[sflag:s26] =	ssyncset.done $0x0  }
0x4b: {  	[sflag:s26] =	ssyncadd.s32 $0xFFFFF3C0  }
0x4c: {  	_ =	swait.ge [sflag:s28], $0xC40  }
0x4d: {  	[sflag:s28] =	ssyncset.done $0x0  }
0x4e: {  	[sflag:s28] =	ssyncadd.s32 $0xFFFFF3C0  }
0x4f: {  	_ =	swait.ge [sflag:s28], $0xC40  }
0x50: {  	[sflag:s28] =	ssyncset.done $0x0  }
0x51: {  	[sflag:s28] =	ssyncadd.s32 $0xFFFFF3C0  }
0x52: {  	_ =	swait.ge [sflag:s28], $0xC40  }
0x53: {  	[sflag:s28] =	ssyncset.done $0x0  }
0x54: {  	[sflag:s28] =	ssyncadd.s32 $0xFFFFF3C0  }
0x55: {  	_ =	swait.ge [sflag:s28], $0xC40  }
0x56: {  	[sflag:s28] =	ssyncset.done $0x0  }
0x57: {  	[sflag:s28] =	ssyncadd.s32 $0xFFFFF3C0  }
0x58: {  	v0 =	vld [tilespmem:s25+$0x0]  }
0x59: {  	v1 =	vld [tilespmem:s23+$0xFFFFF3C0]  }
0x5a: {  	v2 =	vld [tilespmem:s0+$0x0]  }
0x5b: {  	v3 =	vld [tilespmem:s0+$0xC40]  }
0x5c: {  	v4 =	vld [tilespmem:s23+$0x0];
	s25 =	sand.u32 $0xFF0, s2  }
0x5d: {  	v5 =	vld [tilespmem:s25+$0x4980]  }
0x5e: {  	v6 =	vld [tilespmem:s25+$0x7A80]  }
0x5f: {  	v7 =	vld [tilespmem:s23+$0x1880];
	v1 =	vmul.f32 v1, v2  }
0x60: {  	v2 =	vld [tilespmem:s0+$0x24C0]  }
0x61: {  	v3 =	vmul.f32 v4, v3;
	(erf) = vrcp.f32 v0;
	v1 =	vadd.f32 $0.0e+00, v1;
	_ =	sdelay $0x1  }
0x62: {  	v1 =	vadd.f32 v3, v1;
	v3 =	vmul.f32 v6, v5;
	_ =	sdelay $0x1  }
0x63: {  	v2 =	vmul.f32 v7, v2;
	v1 =	vadd.f32 v3, v1;
	_ =	sdelay $0x1  }
0x64: {  	v1 =	vadd.f32 v2, v1;
	_ =	sdelay $0x1  }
0x65: {  	v1 =	vsub.f32 $0.0e+00, v1  }
0x66: {  	v2 =	vpop (erf)  }
0x67: {  	vm0 =	vlt.f32 v0, $0.0e+00;
	vm1 =	vgt.f32 v0, $0.0e+00;
	v0 =	vmul.f32 v1, v2  }
0x68: {  	vm0 =	vmor vm1, vm0  }
0x69: {  	v0 =	vnsel vm0, $0x0, v0  }
0x6a: {  	s21 =	simm.s32 $0x9310;
	[tilespmem:s29+$0x0] =	vst v0  }
0x6b: {  	s19 =	simm.s32 $0x6E50;
	v0 =	vld [tilespmem:s21+$0x0]  }
0x6c: {  	s20 =	simm.s32 $0x3110;
	v1 =	vld [tilespmem:s19+$0xFFFFF3C0]  }
0x6d: {  	s24 =	simm.s32 $0x20;
	s23 =	simm.s32 $0x10;
	s0 =	simm.s32 $0x9F80;
	v2 =	vld [tilespmem:s20+$0x0]  }
.LBB2_2:
0x6e: {  	p1 =	sne.s32 s24, $0xC30;
	v3 =	vld [tilespmem:s20+$0xC40]  }
0x6f: {  	s25 =	sand.u32 $0xFF0, s23;
	s23 =	smov.u32 s24;
	v4 =	vld [tilespmem:s19+$0x0]  }
0x70: {  	v5 =	vld [tilespmem:s25+$0x4980]  }
0x71: {  	v6 =	vld [tilespmem:s25+$0x7A80]  }
0x72: {  	v1 =	vmul.f32 v1, v2;
	v2 =	vld [tilespmem:s20+$0x24C0]  }
0x73: {  	v7 =	vld [tilespmem:s19+$0x1880]  }
0x74: {  	v1 =	vadd.f32 $0.0e+00, v1;
	v3 =	vmul.f32 v4, v3;
	(erf) = vrcp.f32 v0;
	_ =	sdelay $0x1  }
0x75: {  	v1 =	vadd.f32 v3, v1;
	v3 =	vmul.f32 v6, v5;
	_ =	sdelay $0x1  }
0x76: {  	v1 =	vadd.f32 v3, v1;
	v2 =	vmul.f32 v7, v2;
	_ =	sdelay $0x1  }
0x77: {  	v1 =	vadd.f32 v2, v1;
	_ =	sdelay $0x1  }
0x78: {  	v1 =	vsub.f32 $0.0e+00, v1  }
0x79: {  	v2 =	vpop (erf)  }
0x7a: {  	vm0 =	vlt.f32 v0, $0.0e+00;
	vm1 =	vgt.f32 v0, $0.0e+00;
	v0 =	vmul.f32 v1, v2  }
0x7b: {  	vm0 =	vmor vm1, vm0  }
.Ltmp0:
0x7c: {  	s0 =	sadd.s32 $0x10, s0;
	v0 =	vnsel vm0, $0x0, v0;
	(pc) =	sbr.rel @p1 .LBB2_2-.Ltmp0, $4  }
0x7d: {  	s21 =	sadd.s32 $0x10, s21;
	[tilespmem:s0+$0x0] =	vst v0  }
0x7e: {  	s19 =	sadd.s32 $0x10, s19;
	v0 =	vld [tilespmem:s21+$0x0]  }
0x7f: {  	s20 =	sadd.s32 $0x10, s20;
	v1 =	vld [tilespmem:s19+$0xFFFFF3C0]  }
0x80: {  	s24 =	sadd.s32 $0x10, s24;
	v2 =	vld [tilespmem:s20+$0x0]  }
0x81: {  	v3 =	vld [tilespmem:s20+$0xC40]  }
0x82: {  	v4 =	vld [tilespmem:s19+$0x0];
	s21 =	sand.u32 $0xFF0, s23  }
0x83: {  	v5 =	vld [tilespmem:s21+$0x4980]  }
0x84: {  	v6 =	vld [tilespmem:s21+$0x7A80]  }
0x85: {  	v60 =	vld [tilespmem:s20+$0x24C0];
	v1 =	vmul.f32 v1, v2  }
0x86: {  	v7 =	vld [tilespmem:s19+$0x1880]  }
0x87: {  	(erf) = vrcp.f32 v0;
	v3 =	vmul.f32 v4, v3;
	v1 =	vadd.f32 $0.0e+00, v1;
	_ =	sdelay $0x1  }
0x88: {  	v61 =	vmul.f32 v6, v5;
	v1 =	vadd.f32 v3, v1;
	_ =	sdelay $0x1  }
0x89: {  	v2 =	vmul.f32 v7, v60;
	v1 =	vadd.f32 v61, v1;
	_ =	sdelay $0x1  }
0x8a: {  	v1 =	vadd.f32 v2, v1;
	_ =	sdelay $0x1  }
0x8b: {  	v1 =	vsub.f32 $0.0e+00, v1  }
0x8c: {  	v62 =	vpop (erf)  }
0x8d: {  	vm0 =	vlt.f32 v0, $0.0e+00;
	vm1 =	vgt.f32 v0, $0.0e+00;
	v63 =	vmul.f32 v1, v62  }
0x8e: {  	s31 =	sadd.s32 $0x1, s31;
	vm0 =	vmor vm1, vm0  }
0x8f: {  	s0 =	sadd.s32 $0x10, s0;
	p1 =	sne.s32 s31, s14;
	v0 =	vnsel vm0, $0x0, v63  }
.Ltmp1:
0x90: {  	[tilespmem:s0+$0x0] =	vst v0;
	(pc) =	sbr.rel @p1 .LBB2_1-.Ltmp1, $4  }
0x91: {  	[hbm4b:s13+s2] =	stream.linear.scatter [tilespmem:s29], [sflag:$0x4], $0xC40, $0x38;
	[tilespmem:$0xDCC0] =	vst v63  }
0x92: {  	_ =	swait.ge [sflag:s30], $0xC40  }
0x93: {  	[sflag:s30] =	ssyncset.done $0x0  }
0x94: {  	[sflag:s30] =	ssyncadd.s32 $0xFFFFF3C0  }
0x95: {  	_ =	sfence.sel $0x180000  }
0x96: {  	[bflag:$0x0] =	sbarrier.arrive $0xFFFF  }
0x97: {  	_ =	strace $0x9000004A  }
0x98: {  	[bflag:$0x2] =	sbarrier.arrive $0xFFFF  }
0x99: {  	s0 =	rddreg [dreg:$0x3]  }
0x9a: {  	s0 =	sadd.s32 @!p0 $0x100000, s0  }
0x9b: {  	[sflag:s0] =	ssyncadd.tile.s32 @!p0 $0x1;
	_ =	shalt  }
.Lfunc_end2:
_tile_overlayer_lowered:
.L_overlay_start_2:
0x9c: {  	(tag) =	ssettag $0x2  }
0x9d: {  	s0 =	rddreg [dreg:$0x0];
	s2 =	stileid.u32  }
0x9e: {  	s1 =	rddreg [dreg:$0x1];
	p0 =	sne.s32 s2, $0x0  }
0x9f: {  	s3 =	rddreg [dreg:$0x2];
	[bflag:$0x3] =	sbarrier.arrive $0xFFFF;
	s2 =	simm.s32 @!p0 $0x1C04  }
0xa0: {  	[timem:s3], [sflag:s2] =	dma.local @!p0 [hbm:s0], s1  }
0xa1: {  	s0 =	simm.s32 @!p0 $0x4  }
0xa2: {  	_ =	swait.ge @!p0 [sflag:s0], s1  }
0xa3: {  	s1 =	ssub.s32 @!p0 $0x0, s1;
	[sflag:s0] =	ssyncset.done @!p0 $0x0  }
0xa4: {  	[sflag:s0] =	ssyncadd.s32 @!p0 s1  }
0xa5: {  	[bflag:$0x3] =	sbarrier.arrive $0xFFFF  }
0xa6: {  	_ =	shalt  }

</sc_bundles>
